<compile_context>
chip_gen: v7x
topology: tpu7x:2x2x1
jax: 0.10.2.dev20260603
libtpu: 0.0.44.dev20260713+nightly
codegen_flags: <defaults>
</compile_context>

<pallas_src>
import functools

import jax
import jax.numpy as jnp
import numpy as np
from jax import lax
from jax.experimental import pallas as pl
from jax.experimental.pallas import tpu as pltpu
from jax.experimental.pallas import tpu_sc as plsc

P0, P1, P2 = 100, 100, 100
Q0, Q1, Q2 = 4, 4, 4
R1, R2 = 32, 32
EMB = 64
VOCAB = P0 * P1 * P2
NIDX = 327680
BATCH = 16384

NW = 32
PW = NIDX // NW
CH = 128
NCH = PW // CH
HALF = BATCH // 2
ACCROWS = HALF + 2048


_z = np.int32(0)


KT1 = R1 * Q1 * R2
NT1 = R1 * Q1 * Q2


def _t1_body(bm_ref, c2_ref, out_ref):
    c2 = c2_ref[0]
    rr = lax.broadcasted_iota(jnp.int32, (KT1, R2), 0)
    r2i = lax.broadcasted_iota(jnp.int32, (KT1, R2), 1)
    e1 = jnp.where(lax.rem(rr, jnp.full(rr.shape, R2, jnp.int32)) == r2i,
                   jnp.float32(1), jnp.float32(0))
    cc = lax.broadcasted_iota(jnp.int32, (Q2, NT1), 1)
    ci = lax.broadcasted_iota(jnp.int32, (Q2, NT1), 0)
    e2 = jnp.where(lax.rem(cc, jnp.full(cc.shape, Q2, jnp.int32)) == ci,
                   jnp.float32(1), jnp.float32(0))
    cbig = jnp.dot(jnp.dot(e1, c2, preferred_element_type=jnp.float32), e2,
                   preferred_element_type=jnp.float32)
    rk = lax.broadcasted_iota(jnp.int32, (KT1, NT1), 0)
    ck = lax.broadcasted_iota(jnp.int32, (KT1, NT1), 1)
    blk = lax.div(rk, jnp.full(rk.shape, R2, jnp.int32)) == \
        lax.div(ck, jnp.full(ck.shape, Q2, jnp.int32))
    w = jnp.where(blk, cbig, jnp.float32(0)).astype(jnp.bfloat16)
    out_ref[0] = jnp.dot(bm_ref[...], w,
                         preferred_element_type=jnp.float32).astype(jnp.bfloat16)


def _build_bct(bmat, c2r):
    return pl.pallas_call(
        _t1_body,
        grid=(P2,),
        in_specs=[
            pl.BlockSpec((P1, KT1), lambda i: (_z, _z)),
            pl.BlockSpec((1, R2, Q2), lambda i: (i, _z, _z)),
        ],
        out_specs=pl.BlockSpec((1, P1, NT1), lambda i: (i, _z, _z)),
        out_shape=jax.ShapeDtypeStruct((P2, P1, NT1), jnp.bfloat16),
    )(bmat, c2r)


def _t2_body(bct_ref, a_ref, out_ref):
    at = a_ref[0]
    rr = lax.broadcasted_iota(jnp.int32, (NT1, R1), 0)
    r1i = lax.broadcasted_iota(jnp.int32, (NT1, R1), 1)
    e1 = jnp.where(lax.div(rr, jnp.full(rr.shape, 16, jnp.int32)) == r1i,
                   jnp.float32(1), jnp.float32(0))
    cc = lax.broadcasted_iota(jnp.int32, (Q0, EMB), 1)
    ai = lax.broadcasted_iota(jnp.int32, (Q0, EMB), 0)
    e2 = jnp.where(lax.div(cc, jnp.full(cc.shape, 16, jnp.int32)) == ai,
                   jnp.float32(1), jnp.float32(0))
    abig = jnp.dot(jnp.dot(e1, at, preferred_element_type=jnp.float32), e2,
                   preferred_element_type=jnp.float32)
    rk = lax.broadcasted_iota(jnp.int32, (NT1, EMB), 0)
    ck = lax.broadcasted_iota(jnp.int32, (NT1, EMB), 1)
    blk = lax.rem(rk, jnp.full(rk.shape, 16, jnp.int32)) == \
        lax.rem(ck, jnp.full(ck.shape, 16, jnp.int32))
    w = jnp.where(blk, abig, jnp.float32(0)).astype(jnp.bfloat16)
    out_ref[...] = jnp.dot(bct_ref[...], w, preferred_element_type=jnp.float32)


def _build_table(bct, a0r):
    return pl.pallas_call(
        _t2_body,
        grid=(P0,),
        in_specs=[
            pl.BlockSpec((P1 * P2, NT1), lambda i: (_z, _z)),
            pl.BlockSpec((1, R1, Q0), lambda i: (i, _z, _z)),
        ],
        out_specs=pl.BlockSpec((P1 * P2, EMB), lambda i: (i, _z)),
        out_shape=jax.ShapeDtypeStruct((VOCAB, EMB), jnp.float32),
    )(bct, a0r)


def _t3_body(p_ref, o_ref):
    o_ref[...] = p_ref[0] + p_ref[1]


def _sum_partials(partial):
    return pl.pallas_call(
        _t3_body,
        in_specs=[pl.BlockSpec((2, BATCH, EMB), lambda: (_z, _z, _z))],
        out_specs=pl.BlockSpec((BATCH, EMB), lambda: (_z, _z)),
        out_shape=jax.ShapeDtypeStruct((BATCH, EMB), jnp.float32),
    )(partial)


def _sc_bag_body(table_hbm, idx_hbm, offs_hbm, offsn_hbm, out_hbm,
                 offs_v, offsn_v, tmp_v, ridx_v, ridx2_v, idx_v, rows_v, sem, acc):
    cid = lax.axis_index("c")
    sid = lax.axis_index("s")
    wid = sid * 2 + cid
    base = wid * PW

    pltpu.sync_copy(offs_hbm, offs_v)
    pltpu.sync_copy(offsn_hbm, offsn_v)
    pltpu.sync_copy(idx_hbm.at[wid], idx_v)

    c8 = jnp.int32(8)
    c4 = jnp.int32(4)
    v10k = jnp.full((16,), P1 * P2, jnp.int32)
    v100 = jnp.full((16,), P2, jnp.int32)

    def xform(j, _):
        r_ = lax.div(j, c8)
        c_ = lax.rem(j, c8) * 16
        v = idx_v[r_, pl.ds(c_, 16)]
        i0 = lax.div(v, v10k)
        rm = lax.rem(v, v10k)
        i1 = lax.div(rm, v100)
        i2 = lax.rem(rm, v100)
        idx_v[r_, pl.ds(c_, 16)] = i0 * (P1 * P2) + i2 * P1 + i1
        return jnp.int32(0)
    lax.fori_loop(jnp.int32(0), jnp.int32(NCH * (CH // 16)), xform, jnp.int32(0))

    one_v = jnp.full((16,), 1, jnp.int32)
    zero_v = jnp.zeros((16,), jnp.int32)

    def cbody(k, acc_):
        ch = offs_v[pl.ds(k * 16, 16)]
        return acc_ + jnp.where(ch < base, one_v, zero_v)
    cnt = lax.fori_loop(jnp.int32(0), jnp.int32(BATCH // 16), cbody, jnp.zeros((16,), jnp.int32))
    carry0 = jnp.sum(cnt, dtype=jnp.int32) - 1

    def zbody(k, _):
        tmp_v[pl.ds(k * 16, 16)] = jnp.full((16,), -1, jnp.int32)
        return jnp.int32(0)
    lax.fori_loop(jnp.int32(0), jnp.int32(PW // 16), zbody, jnp.int32(0))

    lane = lax.iota(jnp.int32, 16)

    def sbody(k, _):
        o = offs_v[pl.ds(k * 16, 16)]
        onx = offsn_v[pl.ds(k * 16, 16)]
        bv = lane + k * 16
        rel = o - base
        m = (rel >= 0) & (rel < PW) & (o != onx)
        relc = jnp.clip(rel, 0, PW - 1)
        plsc.store_scatter(tmp_v, [relc], bv, mask=m)
        return jnp.int32(0)
    lax.fori_loop(jnp.int32(0), jnp.int32(BATCH // 16), sbody, jnp.int32(0))

    def mbody(k, cv):
        t = tmp_v[pl.ds(k * 16, 16)]
        m = jnp.maximum(plsc.cummax(t), cv)
        ridx_v[lax.div(k, c8), pl.ds(lax.rem(k, c8) * 16, 16)] = m
        return jnp.full((16,), jnp.max(m), jnp.int32)
    lax.fori_loop(jnp.int32(0), jnp.int32(PW // 16), mbody, jnp.full((16,), carry0, jnp.int32))

    zero16 = jnp.zeros((16,), jnp.float32)

    def zr(j, _):
        rows_v[lax.div(j, c4), pl.ds(lax.rem(j, c4) * 16, 16)] = zero16
        return jnp.int32(0)
    lax.fori_loop(jnp.int32(0), jnp.int32(CH * 4), zr, jnp.int32(0))

    vhalf = jnp.full((16,), HALF, jnp.int32)
    vdump = jnp.full((16,), 2048, jnp.int32)

    for p in range(2):
        def zs(j, _):
            pltpu.sync_copy(rows_v, acc.at[pl.ds(sid * (ACCROWS // 16) + j * CH, CH), :])
            return jnp.int32(0)
        lax.fori_loop(jnp.int32(0), jnp.int32(ACCROWS // 16 // CH), zs, jnp.int32(0))

        pbase = jnp.full((16,), p * HALF, jnp.int32)

        def rxf(j, _):
            r_ = lax.div(j, c8)
            c_ = lax.rem(j, c8) * 16
            rv = ridx_v[r_, pl.ds(c_, 16)]
            local = rv - pbase
            ok = (local >= 0) & (local < vhalf)
            spread = vhalf + lax.rem(rv, vdump)
            ridx2_v[r_, pl.ds(c_, 16)] = jnp.where(ok, local, spread)
            return jnp.int32(0)
        lax.fori_loop(jnp.int32(0), jnp.int32(NCH * (CH // 16)), rxf, jnp.int32(0))
        plsc.subcore_barrier()

        def gbody(c, _):
            pltpu.async_copy(table_hbm.at[idx_v.at[c]], rows_v, sem).wait()
            pltpu.sync_copy(rows_v, acc.at[ridx2_v.at[c]], add=True)
            return jnp.int32(0)
        lax.fori_loop(jnp.int32(0), jnp.int32(NCH), gbody, jnp.int32(0))
        plsc.subcore_barrier()

        def wb(j, _):
            row0 = sid * (HALF // 16) + j * CH
            pltpu.sync_copy(acc.at[pl.ds(row0, CH), :], rows_v)
            pltpu.sync_copy(rows_v, out_hbm.at[cid, pl.ds(p * HALF + row0, CH), :])
            return jnp.int32(0)
        lax.fori_loop(jnp.int32(0), jnp.int32(HALF // 16 // CH), wb, jnp.int32(0))
        plsc.subcore_barrier()

        lax.fori_loop(jnp.int32(0), jnp.int32(CH * 4), zr, jnp.int32(0))


def _sc_bag(table, idx3, offs_a, offs_b):
    mesh = plsc.VectorSubcoreMesh(core_axis_name="c", subcore_axis_name="s")
    fn = functools.partial(
        pl.kernel,
        mesh=mesh,
        compiler_params=pltpu.CompilerParams(
            needs_layout_passes=False, use_tc_tiling_on_sc=False),
        out_type=pltpu.HBM((2, BATCH, EMB), jnp.float32),
        scratch_types=[
            pltpu.VMEM((BATCH,), jnp.int32),
            pltpu.VMEM((BATCH,), jnp.int32),
            pltpu.VMEM((PW,), jnp.int32),
            pltpu.VMEM((NCH, CH), jnp.int32),
            pltpu.VMEM((NCH, CH), jnp.int32),
            pltpu.VMEM((NCH, CH), jnp.int32),
            pltpu.VMEM((CH, EMB), jnp.float32),
            pltpu.SemaphoreType.DMA,
            pltpu.VMEM_SHARED((ACCROWS, EMB), jnp.float32),
        ],
    )(_sc_bag_body)
    return fn(table, idx3, offs_a, offs_b)


def kernel(indices, offsets, tt_core_0, tt_core_1, tt_core_2):
    idx32 = indices.astype(jnp.int32)
    offs32 = offsets.astype(jnp.int32)

    bmat = tt_core_1.astype(jnp.bfloat16)
    c2r = tt_core_2.reshape(P2, R2, Q2)
    bct3 = _build_bct(bmat, c2r)
    bct = bct3.reshape(P1 * P2, NT1)

    a0r = jnp.transpose(tt_core_0.reshape(P0, Q0, R1), (0, 2, 1))
    table = _build_table(bct, a0r)

    idx3 = idx32.reshape(NW, NCH, CH)
    offs_a = offs32[:BATCH]
    offs_b = offs32[1:BATCH + 1]
    partial = _sc_bag(table, idx3, offs_a, offs_b)
    return _sum_partials(partial)

# --- scband reference (transcript-rebuilt; emitter-appended) ---
"""Pipeline reference for scband-ttembedding-bag-41308995453043 (READ-ONLY COPY).

The authoritative reference and input builder live on the scoring server;
editing this copy changes nothing except your own understanding.
"""

import jax, jax.numpy as jnp
import numpy as np

jax.config.update("jax_enable_x64", True)

P = (100, 100, 100)   # tt_p_shapes, prod = 1_000_000 = num_embeddings
Q = (4, 4, 4)         # tt_q_shapes, prod = 64 = embedding_dim
R = (1, 32, 32, 1)    # full tt ranks (boundary ranks = 1)
VOCAB = 1000000
EMB_DIM = 64
N_IDX = 327680        # 16384 bags * avg 20 indices
BATCH = 16384


def setup_inputs(seed: int = 0) -> dict:
    key = jax.random.key(seed)
    k1, k2, k3, k4, k5 = jax.random.split(key, 5)
    indices = jax.random.randint(k1, (N_IDX,), 0, VOCAB, dtype=jnp.int64)
    offsets = jnp.sort(jax.random.randint(k2, (BATCH + 1,), 0, N_IDX + 1, dtype=jnp.int64))
    offsets = offsets.at[0].set(0).at[-1].set(N_IDX)
    # TT cores (learned params). Core i stored as [p_i, r_i * q_i * r_{i+1}]
    scale = 0.1
    tt_core_0 = (jax.random.normal(k3, (P[0], R[0] * Q[0] * R[1]), dtype=jnp.float32) * scale)
    tt_core_1 = (jax.random.normal(k4, (P[1], R[1] * Q[1] * R[2]), dtype=jnp.float32) * scale)
    tt_core_2 = (jax.random.normal(k5, (P[2], R[2] * Q[2] * R[3]), dtype=jnp.float32) * scale)
    return {
        "indices": indices,
        "offsets": offsets,
        "tt_core_0": tt_core_0,
        "tt_core_1": tt_core_1,
        "tt_core_2": tt_core_2,
    }


def reference(indices, offsets, tt_core_0, tt_core_1, tt_core_2):
    n = indices.shape[0]
    batch_size = offsets.shape[0] - 1
    # Decompose flat embedding index into 3 TT indices
    i0 = indices // (P[1] * P[2])
    rem = indices % (P[1] * P[2])
    i1 = rem // P[2]
    i2 = rem % P[2]
    # Gather core slices (SparseCore-style gathers)
    A = jnp.take(tt_core_0, i0, axis=0).reshape(n, Q[0], R[1])          # (n, q0, r1)
    Bc = jnp.take(tt_core_1, i1, axis=0).reshape(n, R[1], Q[1], R[2])   # (n, r1, q1, r2)
    C = jnp.take(tt_core_2, i2, axis=0).reshape(n, R[2], Q[2])          # (n, r2, q2)
    # TT contraction to reconstruct embedding rows
    tmp = jnp.einsum("nar,nrbs->nabs", A, Bc)                            # (n, q0, q1, r2)
    emb = jnp.einsum("nabs,nsc->nabc", tmp, C).reshape(n, EMB_DIM)       # (n, 64)
    # Bag sum reduction: rowidx from offsets, then scatter-add (segment_sum)
    rowidx = jnp.searchsorted(offsets, jnp.arange(n, dtype=offsets.dtype), side="right") - 1
    rowidx = jnp.clip(rowidx, 0, batch_size - 1)
    out = jax.ops.segment_sum(emb, rowidx, num_segments=batch_size)      # (batch, 64)
    return out

if __name__ == "__main__":
    import jax
    _d = setup_inputs()
    print(jax.jit(kernel)(*tuple(_d.values())))

</pallas_src>

<mosaic_0001>
#map = affine_map<(d0, d1) -> (0, 0)>
#map1 = affine_map<(d0, d1) -> (0, 0, 0)>
#map2 = affine_map<(d0, d1) -> (0)>
module attributes {stable_mosaic.version = 14 : i64} {
  func.func @_sc_bag_body(%arg0: i32, %arg1: i32, %arg2: memref<1000000x64xf32, #tpu.memory_space<hbm>>, %arg3: memref<32x80x128xi32, #tpu.memory_space<hbm>>, %arg4: memref<16384xi32, #tpu.memory_space<hbm>>, %arg5: memref<16384xi32, #tpu.memory_space<hbm>>, %arg6: memref<2x16384x64xf32, #tpu.memory_space<hbm>>, %arg7: memref<16384xi32, #tpu.memory_space<vmem>>, %arg8: memref<16384xi32, #tpu.memory_space<vmem>>, %arg9: memref<10240xi32, #tpu.memory_space<vmem>>, %arg10: memref<80x128xi32, #tpu.memory_space<vmem>>, %arg11: memref<80x128xi32, #tpu.memory_space<vmem>>, %arg12: memref<80x128xi32, #tpu.memory_space<vmem>>, %arg13: memref<128x64xf32, #tpu.memory_space<vmem>>, %arg14: memref<!tpu.dma_semaphore, #tpu.memory_space<semaphore_mem>>, %arg15: memref<10240x64xf32, #tpu.memory_space<vmem_shared>>) attributes {dimension_semantics = [#tpu.dimension_semantics<core_parallel>, #tpu.dimension_semantics<subcore_parallel>], iteration_bounds = array<i64: 2, 16>, scalar_prefetch = 0 : i64, scratch_operands = 9 : i64, tpu.core_type = #tpu.core_type<sc_vector_subcore>, window_params = [{transform_indices = #map}, {transform_indices = #map1}, {transform_indices = #map2}, {transform_indices = #map2}, {transform_indices = #map1}]} {
    %mul3A = arith.constant 2 : i32
    %mul3A_0 = arith.muli %arg1, %mul3A : i32
    %add3A = arith.addi %mul3A_0, %arg0 : i32
    %mul3A_1 = arith.constant 10240 : i32
    %mul3A_2 = arith.muli %add3A, %mul3A_1 : i32
    "tpu.region"() ({
      %run_scoped3A = tpu.sem_alloc : memref<!tpu.dma_semaphore, #tpu.memory_space<semaphore_mem>>
      tpu.enqueue_dma source(%arg4 : memref<16384xi32, #tpu.memory_space<hbm>>) target(%arg7 : memref<16384xi32, #tpu.memory_space<vmem>>) target_semaphore(%run_scoped3A : memref<!tpu.dma_semaphore, #tpu.memory_space<semaphore_mem>>)
      tpu.wait_dma2 semaphore(%run_scoped3A : memref<!tpu.dma_semaphore, #tpu.memory_space<semaphore_mem>>) src(%arg4 : memref<16384xi32, #tpu.memory_space<hbm>>) dst(%arg7 : memref<16384xi32, #tpu.memory_space<vmem>>)
      tpu.yield
    }) : () -> ()
    "tpu.region"() ({
      %run_scoped3A = tpu.sem_alloc : memref<!tpu.dma_semaphore, #tpu.memory_space<semaphore_mem>>
      tpu.enqueue_dma source(%arg5 : memref<16384xi32, #tpu.memory_space<hbm>>) target(%arg8 : memref<16384xi32, #tpu.memory_space<vmem>>) target_semaphore(%run_scoped3A : memref<!tpu.dma_semaphore, #tpu.memory_space<semaphore_mem>>)
      tpu.wait_dma2 semaphore(%run_scoped3A : memref<!tpu.dma_semaphore, #tpu.memory_space<semaphore_mem>>) src(%arg5 : memref<16384xi32, #tpu.memory_space<hbm>>) dst(%arg8 : memref<16384xi32, #tpu.memory_space<vmem>>)
      tpu.yield
    }) : () -> ()
    "tpu.region"() ({
      %run_scoped3A = tpu.sem_alloc : memref<!tpu.dma_semaphore, #tpu.memory_space<semaphore_mem>>
      %dma_start3A = arith.constant 0 : i32
      %dma_start3A_244 = arith.constant 0 : i32
      %dma_start3A_245 = tpu.memref_slice %arg3[%add3A, %dma_start3A, %dma_start3A_244] : memref<32x80x128xi32, #tpu.memory_space<hbm>> -> memref<1x80x128xi32, #tpu.memory_space<hbm>>
      %dma_start3A_246 = tpu.memref_squeeze %dma_start3A_245 : memref<1x80x128xi32, #tpu.memory_space<hbm>> -> memref<80x128xi32, #tpu.memory_space<hbm>>
      %dma_start3A_247 = arith.constant 0 : i32
      %dma_start3A_248 = arith.constant 0 : i32
      %dma_start3A_249 = tpu.memref_slice %arg3[%add3A, %dma_start3A_247, %dma_start3A_248] : memref<32x80x128xi32, #tpu.memory_space<hbm>> -> memref<1x80x128xi32, #tpu.memory_space<hbm>>
      %dma_start3A_250 = tpu.memref_squeeze %dma_start3A_249 : memref<1x80x128xi32, #tpu.memory_space<hbm>> -> memref<80x128xi32, #tpu.memory_space<hbm>>
      tpu.enqueue_dma source(%dma_start3A_250 : memref<80x128xi32, #tpu.memory_space<hbm>>) target(%arg12 : memref<80x128xi32, #tpu.memory_space<vmem>>) target_semaphore(%run_scoped3A : memref<!tpu.dma_semaphore, #tpu.memory_space<semaphore_mem>>)
      %dma_wait3A = arith.constant 0 : i32
      %dma_wait3A_251 = arith.constant 0 : i32
      %dma_wait3A_252 = tpu.memref_slice %arg3[%add3A, %dma_wait3A, %dma_wait3A_251] : memref<32x80x128xi32, #tpu.memory_space<hbm>> -> memref<1x80x128xi32, #tpu.memory_space<hbm>>
      %dma_wait3A_253 = tpu.memref_squeeze %dma_wait3A_252 : memref<1x80x128xi32, #tpu.memory_space<hbm>> -> memref<80x128xi32, #tpu.memory_space<hbm>>
      %dma_wait3A_254 = arith.constant 0 : i32
      %dma_wait3A_255 = arith.constant 0 : i32
      %dma_wait3A_256 = tpu.memref_slice %arg3[%add3A, %dma_wait3A_254, %dma_wait3A_255] : memref<32x80x128xi32, #tpu.memory_space<hbm>> -> memref<1x80x128xi32, #tpu.memory_space<hbm>>
      %dma_wait3A_257 = tpu.memref_squeeze %dma_wait3A_256 : memref<1x80x128xi32, #tpu.memory_space<hbm>> -> memref<80x128xi32, #tpu.memory_space<hbm>>
      tpu.wait_dma2 semaphore(%run_scoped3A : memref<!tpu.dma_semaphore, #tpu.memory_space<semaphore_mem>>) src(%dma_wait3A_257 : memref<80x128xi32, #tpu.memory_space<hbm>>) dst(%arg12 : memref<80x128xi32, #tpu.memory_space<vmem>>)
      tpu.yield
    }) : () -> ()
    %broadcast_in_dim3A = arith.constant 10000 : i32
    %broadcast_in_dim3A_3 = vector.broadcast %broadcast_in_dim3A : i32 to vector<16xi32>
    %broadcast_in_dim3A_4 = arith.constant 100 : i32
    %broadcast_in_dim3A_5 = vector.broadcast %broadcast_in_dim3A_4 : i32 to vector<16xi32>
    %while3A = arith.constant 8 : i32
    %while3A_6 = arith.constant 0 : i32
    %while3A_7 = arith.constant 640 : i32
    %while3A_8 = arith.constant 0 : i32
    %while3A_9 = arith.subi %while3A_7, %while3A_6 : i32
    %while3A_10 = arith.addi %while3A_6, %while3A_9 : i32
    %while3A_11 = arith.constant 1 : i32
    %while3A_12 = arith.divsi %while3A_9, %while3A_11 : i32
    %while3A_13 = arith.muli %while3A_12, %while3A_11 : i32
    %while3A_14 = arith.addi %while3A_6, %while3A_13 : i32
    %while3A_15 = arith.constant 1 : i32
    %while3A_16 = scf.for %while3A_244 = %while3A_6 to %while3A_14 step %while3A_15 iter_args(%while3A_245 = %while3A_8) -> (i32)  : i32 {
      %div3A = arith.divsi %while3A_244, %while3A : i32
      %rem3A = arith.remsi %while3A_244, %while3A : i32
      %mul3A_246 = arith.constant 16 : i32
      %mul3A_247 = arith.muli %rem3A, %mul3A_246 : i32
      %get3A = arith.index_cast %div3A : i32 to index
      %get3A_248 = arith.index_cast %mul3A_247 : i32 to index
      %get3A_249 = tpu.vector_load %arg12[%get3A, %get3A_248] {strides = array<i32>} : memref<80x128xi32, #tpu.memory_space<vmem>>, vector<16xi32>,
      %div3A_250 = arith.divsi %get3A_249, %broadcast_in_dim3A_3 : vector<16xi32>
      %rem3A_251 = arith.remsi %get3A_249, %broadcast_in_dim3A_3 : vector<16xi32>
      %div3A_252 = arith.divsi %rem3A_251, %broadcast_in_dim3A_5 : vector<16xi32>
      %rem3A_253 = arith.remsi %rem3A_251, %broadcast_in_dim3A_5 : vector<16xi32>
      %mul3A_254 = arith.constant 10000 : i32
      %mul3A_255 = vector.broadcast %mul3A_254 : i32 to vector<16xi32>
      %mul3A_256 = arith.muli %div3A_250, %mul3A_255 : vector<16xi32>
      %mul3A_257 = arith.constant 100 : i32
      %mul3A_258 = vector.broadcast %mul3A_257 : i32 to vector<16xi32>
      %mul3A_259 = arith.muli %rem3A_253, %mul3A_258 : vector<16xi32>
      %add3A_260 = arith.addi %mul3A_256, %mul3A_259 : vector<16xi32>
      %add3A_261 = arith.addi %add3A_260, %div3A_252 : vector<16xi32>
      %swap3A = arith.index_cast %div3A : i32 to index
      %swap3A_262 = arith.index_cast %mul3A_247 : i32 to index
      %swap3A_263 = tpu.vector_load %arg12[%swap3A, %swap3A_262] {strides = array<i32>} : memref<80x128xi32, #tpu.memory_space<vmem>>, vector<16xi32>,
      tpu.vector_store %arg12[%swap3A, %swap3A_262], %add3A_261 {strides = array<i32>} : memref<80x128xi32, #tpu.memory_space<vmem>>, vector<16xi32>,
      %while3A_264 = arith.constant 0 : i32
      scf.yield %while3A_264 : i32
    }
    %while3A_17 = arith.constant 1 : i32
    %while3A_18 = scf.for %while3A_244 = %while3A_14 to %while3A_10 step %while3A_17 iter_args(%while3A_245 = %while3A_16) -> (i32)  : i32 {
      %div3A = arith.divsi %while3A_244, %while3A : i32
      %rem3A = arith.remsi %while3A_244, %while3A : i32
      %mul3A_246 = arith.constant 16 : i32
      %mul3A_247 = arith.muli %rem3A, %mul3A_246 : i32
      %get3A = arith.index_cast %div3A : i32 to index
      %get3A_248 = arith.index_cast %mul3A_247 : i32 to index
      %get3A_249 = tpu.vector_load %arg12[%get3A, %get3A_248] {strides = array<i32>} : memref<80x128xi32, #tpu.memory_space<vmem>>, vector<16xi32>,
      %div3A_250 = arith.divsi %get3A_249, %broadcast_in_dim3A_3 : vector<16xi32>
      %rem3A_251 = arith.remsi %get3A_249, %broadcast_in_dim3A_3 : vector<16xi32>
      %div3A_252 = arith.divsi %rem3A_251, %broadcast_in_dim3A_5 : vector<16xi32>
      %rem3A_253 = arith.remsi %rem3A_251, %broadcast_in_dim3A_5 : vector<16xi32>
      %mul3A_254 = arith.constant 10000 : i32
      %mul3A_255 = vector.broadcast %mul3A_254 : i32 to vector<16xi32>
      %mul3A_256 = arith.muli %div3A_250, %mul3A_255 : vector<16xi32>
      %mul3A_257 = arith.constant 100 : i32
      %mul3A_258 = vector.broadcast %mul3A_257 : i32 to vector<16xi32>
      %mul3A_259 = arith.muli %rem3A_253, %mul3A_258 : vector<16xi32>
      %add3A_260 = arith.addi %mul3A_256, %mul3A_259 : vector<16xi32>
      %add3A_261 = arith.addi %add3A_260, %div3A_252 : vector<16xi32>
      %swap3A = arith.index_cast %div3A : i32 to index
      %swap3A_262 = arith.index_cast %mul3A_247 : i32 to index
      %swap3A_263 = tpu.vector_load %arg12[%swap3A, %swap3A_262] {strides = array<i32>} : memref<80x128xi32, #tpu.memory_space<vmem>>, vector<16xi32>,
      tpu.vector_store %arg12[%swap3A, %swap3A_262], %add3A_261 {strides = array<i32>} : memref<80x128xi32, #tpu.memory_space<vmem>>, vector<16xi32>,
      %while3A_264 = arith.constant 0 : i32
      scf.yield %while3A_264 : i32
    }
    %broadcast_in_dim3A_19 = arith.constant 1 : i32
    %broadcast_in_dim3A_20 = vector.broadcast %broadcast_in_dim3A_19 : i32 to vector<16xi32>
    %broadcast_in_dim3A_21 = arith.constant 0 : i32
    %broadcast_in_dim3A_22 = vector.broadcast %broadcast_in_dim3A_21 : i32 to vector<16xi32>
    %broadcast_in_dim3A_23 = arith.constant 0 : i32
    %broadcast_in_dim3A_24 = vector.broadcast %broadcast_in_dim3A_23 : i32 to vector<16xi32>
    %while3A_25 = arith.constant 0 : i32
    %while3A_26 = arith.constant 1024 : i32
    %while3A_27 = arith.subi %while3A_26, %while3A_25 : i32
    %while3A_28 = arith.addi %while3A_25, %while3A_27 : i32
    %while3A_29 = arith.constant 1 : i32
    %while3A_30 = arith.divsi %while3A_27, %while3A_29 : i32
    %while3A_31 = arith.muli %while3A_30, %while3A_29 : i32
    %while3A_32 = arith.addi %while3A_25, %while3A_31 : i32
    %while3A_33 = arith.constant 1 : i32
    %while3A_34 = scf.for %while3A_244 = %while3A_25 to %while3A_32 step %while3A_33 iter_args(%while3A_245 = %broadcast_in_dim3A_24) -> (vector<16xi32>)  : i32 {
      %mul3A_246 = arith.constant 16 : i32
      %mul3A_247 = arith.muli %while3A_244, %mul3A_246 : i32
      %get3A = arith.index_cast %mul3A_247 : i32 to index
      %get3A_248 = tpu.vector_load %arg7[%get3A] {strides = array<i32>} : memref<16384xi32, #tpu.memory_space<vmem>>, vector<16xi32>,
      %lt3A = vector.broadcast %mul3A_2 : i32 to vector<16xi32>
      %lt3A_249 = arith.cmpi slt, %get3A_248, %lt3A : vector<16xi32>
      %select_n3A = arith.select %lt3A_249, %broadcast_in_dim3A_20, %broadcast_in_dim3A_22 : vector<16xi1>, vector<16xi32>
      %add3A_250 = arith.addi %while3A_245, %select_n3A : vector<16xi32>
      scf.yield %add3A_250 : vector<16xi32>
    }
    %while3A_35 = arith.constant 1 : i32
    %while3A_36 = scf.for %while3A_244 = %while3A_32 to %while3A_28 step %while3A_35 iter_args(%while3A_245 = %while3A_34) -> (vector<16xi32>)  : i32 {
      %mul3A_246 = arith.constant 16 : i32
      %mul3A_247 = arith.muli %while3A_244, %mul3A_246 : i32
      %get3A = arith.index_cast %mul3A_247 : i32 to index
      %get3A_248 = tpu.vector_load %arg7[%get3A] {strides = array<i32>} : memref<16384xi32, #tpu.memory_space<vmem>>, vector<16xi32>,
      %lt3A = vector.broadcast %mul3A_2 : i32 to vector<16xi32>
      %lt3A_249 = arith.cmpi slt, %get3A_248, %lt3A : vector<16xi32>
      %select_n3A = arith.select %lt3A_249, %broadcast_in_dim3A_20, %broadcast_in_dim3A_22 : vector<16xi1>, vector<16xi32>
      %add3A_250 = arith.addi %while3A_245, %select_n3A : vector<16xi32>
      scf.yield %add3A_250 : vector<16xi32>
    }
    %reduce_sum3A = arith.constant true
    %reduce_sum3A_37 = vector.broadcast %reduce_sum3A : i1 to vector<16xi1>
    %reduce_sum3A_38 = tpu.scan <sum>, %while3A_36 masked %reduce_sum3A_37 : vector<16xi32>, vector<16xi1> -> vector<16xi32>
    %reduce_sum3A_39 = vector.extract %reduce_sum3A_38[15] : i32 from vector<16xi32>
    %sub3A = arith.constant 1 : i32
    %sub3A_40 = arith.subi %reduce_sum3A_39, %sub3A : i32
    %while3A_41 = arith.constant 0 : i32
    %while3A_42 = arith.constant 640 : i32
    %while3A_43 = arith.constant 0 : i32
    %while3A_44 = arith.subi %while3A_42, %while3A_41 : i32
    %while3A_45 = arith.addi %while3A_41, %while3A_44 : i32
    %while3A_46 = arith.constant 1 : i32
    %while3A_47 = arith.divsi %while3A_44, %while3A_46 : i32
    %while3A_48 = arith.muli %while3A_47, %while3A_46 : i32
    %while3A_49 = arith.addi %while3A_41, %while3A_48 : i32
    %while3A_50 = arith.constant 1 : i32
    %while3A_51 = scf.for %while3A_244 = %while3A_41 to %while3A_49 step %while3A_50 iter_args(%while3A_245 = %while3A_43) -> (i32)  : i32 {
      %broadcast_in_dim3A_246 = arith.constant -1 : i32
      %broadcast_in_dim3A_247 = vector.broadcast %broadcast_in_dim3A_246 : i32 to vector<16xi32>
      %mul3A_248 = arith.constant 16 : i32
      %mul3A_249 = arith.muli %while3A_244, %mul3A_248 : i32
      %swap3A = arith.index_cast %mul3A_249 : i32 to index
      %swap3A_250 = tpu.vector_load %arg9[%swap3A] {strides = array<i32>} : memref<10240xi32, #tpu.memory_space<vmem>>, vector<16xi32>,
      tpu.vector_store %arg9[%swap3A], %broadcast_in_dim3A_247 {strides = array<i32>} : memref<10240xi32, #tpu.memory_space<vmem>>, vector<16xi32>,
      %while3A_251 = arith.constant 0 : i32
      scf.yield %while3A_251 : i32
    }
    %while3A_52 = arith.constant 1 : i32
    %while3A_53 = scf.for %while3A_244 = %while3A_49 to %while3A_45 step %while3A_52 iter_args(%while3A_245 = %while3A_51) -> (i32)  : i32 {
      %broadcast_in_dim3A_246 = arith.constant -1 : i32
      %broadcast_in_dim3A_247 = vector.broadcast %broadcast_in_dim3A_246 : i32 to vector<16xi32>
      %mul3A_248 = arith.constant 16 : i32
      %mul3A_249 = arith.muli %while3A_244, %mul3A_248 : i32
      %swap3A = arith.index_cast %mul3A_249 : i32 to index
      %swap3A_250 = tpu.vector_load %arg9[%swap3A] {strides = array<i32>} : memref<10240xi32, #tpu.memory_space<vmem>>, vector<16xi32>,
      tpu.vector_store %arg9[%swap3A], %broadcast_in_dim3A_247 {strides = array<i32>} : memref<10240xi32, #tpu.memory_space<vmem>>, vector<16xi32>,
      %while3A_251 = arith.constant 0 : i32
      scf.yield %while3A_251 : i32
    }
    %iota3A = tpu.iota {dimensions = array<i32: 0>} : vector<16xi32>
    %while3A_54 = arith.constant 0 : i32
    %while3A_55 = arith.constant 1024 : i32
    %while3A_56 = arith.constant 0 : i32
    %while3A_57 = arith.subi %while3A_55, %while3A_54 : i32
    %while3A_58 = arith.addi %while3A_54, %while3A_57 : i32
    %while3A_59 = arith.constant 1 : i32
    %while3A_60 = arith.divsi %while3A_57, %while3A_59 : i32
    %while3A_61 = arith.muli %while3A_60, %while3A_59 : i32
    %while3A_62 = arith.addi %while3A_54, %while3A_61 : i32
    %while3A_63 = arith.constant 1 : i32
    %while3A_64 = scf.for %while3A_244 = %while3A_54 to %while3A_62 step %while3A_63 iter_args(%while3A_245 = %while3A_56) -> (i32)  : i32 {
      %mul3A_246 = arith.constant 16 : i32
      %mul3A_247 = arith.muli %while3A_244, %mul3A_246 : i32
      %get3A = arith.index_cast %mul3A_247 : i32 to index
      %get3A_248 = tpu.vector_load %arg7[%get3A] {strides = array<i32>} : memref<16384xi32, #tpu.memory_space<vmem>>, vector<16xi32>,
      %mul3A_249 = arith.constant 16 : i32
      %mul3A_250 = arith.muli %while3A_244, %mul3A_249 : i32
      %get3A_251 = arith.index_cast %mul3A_250 : i32 to index
      %get3A_252 = tpu.vector_load %arg8[%get3A_251] {strides = array<i32>} : memref<16384xi32, #tpu.memory_space<vmem>>, vector<16xi32>,
      %mul3A_253 = arith.constant 16 : i32
      %mul3A_254 = arith.muli %while3A_244, %mul3A_253 : i32
      %add3A_255 = vector.broadcast %mul3A_254 : i32 to vector<16xi32>
      %add3A_256 = arith.addi %iota3A, %add3A_255 : vector<16xi32>
      %sub3A_257 = vector.broadcast %mul3A_2 : i32 to vector<16xi32>
      %sub3A_258 = arith.subi %get3A_248, %sub3A_257 : vector<16xi32>
      %ge3A = arith.constant 0 : i32
      %ge3A_259 = vector.broadcast %ge3A : i32 to vector<16xi32>
      %ge3A_260 = arith.cmpi sge, %sub3A_258, %ge3A_259 : vector<16xi32>
      %lt3A = arith.constant 10240 : i32
      %lt3A_261 = vector.broadcast %lt3A : i32 to vector<16xi32>
      %lt3A_262 = arith.cmpi slt, %sub3A_258, %lt3A_261 : vector<16xi32>
      %and3A = arith.andi %ge3A_260, %lt3A_262 : vector<16xi1>
      %ne3A = arith.cmpi ne, %get3A_248, %get3A_252 : vector<16xi32>
      %and3A_263 = arith.andi %and3A, %ne3A : vector<16xi1>
      %jit3A = arith.constant 0 : i64
      %jit3A_264 = arith.constant 10239 : i64
      %convert_element_type3A = arith.trunci %jit3A : i64 to i32
      %max3A = vector.broadcast %convert_element_type3A : i32 to vector<16xi32>
      %max3A_265 = arith.maxsi %max3A, %sub3A_258 : vector<16xi32>
      %convert_element_type3A_266 = arith.trunci %jit3A_264 : i64 to i32
      %min3A = vector.broadcast %convert_element_type3A_266 : i32 to vector<16xi32>
      %min3A_267 = arith.minsi %min3A, %max3A_265 : vector<16xi32>
      tpu.vector_store_idx %arg9[%min3A_267], %add3A_256 masked %and3A_263 : memref<10240xi32, #tpu.memory_space<vmem>>[vector<16xi32>], vector<16xi32>, vector<16xi1>
      %while3A_268 = arith.constant 0 : i32
      scf.yield %while3A_268 : i32
    }
    %while3A_65 = arith.constant 1 : i32
    %while3A_66 = scf.for %while3A_244 = %while3A_62 to %while3A_58 step %while3A_65 iter_args(%while3A_245 = %while3A_64) -> (i32)  : i32 {
      %mul3A_246 = arith.constant 16 : i32
      %mul3A_247 = arith.muli %while3A_244, %mul3A_246 : i32
      %get3A = arith.index_cast %mul3A_247 : i32 to index
      %get3A_248 = tpu.vector_load %arg7[%get3A] {strides = array<i32>} : memref<16384xi32, #tpu.memory_space<vmem>>, vector<16xi32>,
      %mul3A_249 = arith.constant 16 : i32
      %mul3A_250 = arith.muli %while3A_244, %mul3A_249 : i32
      %get3A_251 = arith.index_cast %mul3A_250 : i32 to index
      %get3A_252 = tpu.vector_load %arg8[%get3A_251] {strides = array<i32>} : memref<16384xi32, #tpu.memory_space<vmem>>, vector<16xi32>,
      %mul3A_253 = arith.constant 16 : i32
      %mul3A_254 = arith.muli %while3A_244, %mul3A_253 : i32
      %add3A_255 = vector.broadcast %mul3A_254 : i32 to vector<16xi32>
      %add3A_256 = arith.addi %iota3A, %add3A_255 : vector<16xi32>
      %sub3A_257 = vector.broadcast %mul3A_2 : i32 to vector<16xi32>
      %sub3A_258 = arith.subi %get3A_248, %sub3A_257 : vector<16xi32>
      %ge3A = arith.constant 0 : i32
      %ge3A_259 = vector.broadcast %ge3A : i32 to vector<16xi32>
      %ge3A_260 = arith.cmpi sge, %sub3A_258, %ge3A_259 : vector<16xi32>
      %lt3A = arith.constant 10240 : i32
      %lt3A_261 = vector.broadcast %lt3A : i32 to vector<16xi32>
      %lt3A_262 = arith.cmpi slt, %sub3A_258, %lt3A_261 : vector<16xi32>
      %and3A = arith.andi %ge3A_260, %lt3A_262 : vector<16xi1>
      %ne3A = arith.cmpi ne, %get3A_248, %get3A_252 : vector<16xi32>
      %and3A_263 = arith.andi %and3A, %ne3A : vector<16xi1>
      %jit3A = arith.constant 0 : i64
      %jit3A_264 = arith.constant 10239 : i64
      %convert_element_type3A = arith.trunci %jit3A : i64 to i32
      %max3A = vector.broadcast %convert_element_type3A : i32 to vector<16xi32>
      %max3A_265 = arith.maxsi %max3A, %sub3A_258 : vector<16xi32>
      %convert_element_type3A_266 = arith.trunci %jit3A_264 : i64 to i32
      %min3A = vector.broadcast %convert_element_type3A_266 : i32 to vector<16xi32>
      %min3A_267 = arith.minsi %min3A, %max3A_265 : vector<16xi32>
      tpu.vector_store_idx %arg9[%min3A_267], %add3A_256 masked %and3A_263 : memref<10240xi32, #tpu.memory_space<vmem>>[vector<16xi32>], vector<16xi32>, vector<16xi1>
      %while3A_268 = arith.constant 0 : i32
      scf.yield %while3A_268 : i32
    }
    %broadcast_in_dim3A_67 = vector.broadcast %sub3A_40 : i32 to vector<16xi32>
    %while3A_68 = arith.constant 8 : i32
    %while3A_69 = arith.constant 0 : i32
    %while3A_70 = arith.constant 640 : i32
    %while3A_71 = arith.subi %while3A_70, %while3A_69 : i32
    %while3A_72 = arith.addi %while3A_69, %while3A_71 : i32
    %while3A_73 = arith.constant 1 : i32
    %while3A_74 = arith.divsi %while3A_71, %while3A_73 : i32
    %while3A_75 = arith.muli %while3A_74, %while3A_73 : i32
    %while3A_76 = arith.addi %while3A_69, %while3A_75 : i32
    %while3A_77 = arith.constant 1 : i32
    %while3A_78 = scf.for %while3A_244 = %while3A_69 to %while3A_76 step %while3A_77 iter_args(%while3A_245 = %broadcast_in_dim3A_67) -> (vector<16xi32>)  : i32 {
      %mul3A_246 = arith.constant 16 : i32
      %mul3A_247 = arith.muli %while3A_244, %mul3A_246 : i32
      %get3A = arith.index_cast %mul3A_247 : i32 to index
      %get3A_248 = tpu.vector_load %arg9[%get3A] {strides = array<i32>} : memref<10240xi32, #tpu.memory_space<vmem>>, vector<16xi32>,
      %broadcast_in_dim3A_249 = arith.constant true
      %broadcast_in_dim3A_250 = vector.broadcast %broadcast_in_dim3A_249 : i1 to vector<16xi1>
      %masked_cummax3A = arith.constant -2147483648 : i32
      %masked_cummax3A_251 = vector.broadcast %masked_cummax3A : i32 to vector<16xi32>
      %masked_cummax3A_252 = arith.xori %get3A_248, %masked_cummax3A_251 : vector<16xi32>
      %masked_cummax3A_253 = tpu.scan <max>, %masked_cummax3A_252 masked %broadcast_in_dim3A_250 : vector<16xi32>, vector<16xi1> -> vector<16xi32>
      %masked_cummax3A_254 = arith.xori %masked_cummax3A_253, %masked_cummax3A_251 : vector<16xi32>
      %max3A = arith.maxsi %masked_cummax3A_254, %while3A_245 : vector<16xi32>
      %div3A = arith.divsi %while3A_244, %while3A_68 : i32
      %rem3A = arith.remsi %while3A_244, %while3A_68 : i32
      %mul3A_255 = arith.constant 16 : i32
      %mul3A_256 = arith.muli %rem3A, %mul3A_255 : i32
      %swap3A = arith.index_cast %div3A : i32 to index
      %swap3A_257 = arith.index_cast %mul3A_256 : i32 to index
      %swap3A_258 = tpu.vector_load %arg10[%swap3A, %swap3A_257] {strides = array<i32>} : memref<80x128xi32, #tpu.memory_space<vmem>>, vector<16xi32>,
      tpu.vector_store %arg10[%swap3A, %swap3A_257], %max3A {strides = array<i32>} : memref<80x128xi32, #tpu.memory_space<vmem>>, vector<16xi32>,
      %reduce_max3A = arith.constant true
      %reduce_max3A_259 = vector.broadcast %reduce_max3A : i1 to vector<16xi1>
      %reduce_max3A_260 = arith.constant -2147483648 : i32
      %reduce_max3A_261 = vector.broadcast %reduce_max3A_260 : i32 to vector<16xi32>
      %reduce_max3A_262 = arith.xori %max3A, %reduce_max3A_261 : vector<16xi32>
      %reduce_max3A_263 = tpu.scan <max>, %reduce_max3A_262 masked %reduce_max3A_259 : vector<16xi32>, vector<16xi1> -> vector<16xi32>
      %reduce_max3A_264 = arith.xori %reduce_max3A_263, %reduce_max3A_261 : vector<16xi32>
      %reduce_max3A_265 = vector.extract %reduce_max3A_264[15] : i32 from vector<16xi32>
      %broadcast_in_dim3A_266 = vector.broadcast %reduce_max3A_265 : i32 to vector<16xi32>
      scf.yield %broadcast_in_dim3A_266 : vector<16xi32>
    }
    %while3A_79 = arith.constant 1 : i32
    %while3A_80 = scf.for %while3A_244 = %while3A_76 to %while3A_72 step %while3A_79 iter_args(%while3A_245 = %while3A_78) -> (vector<16xi32>)  : i32 {
      %mul3A_246 = arith.constant 16 : i32
      %mul3A_247 = arith.muli %while3A_244, %mul3A_246 : i32
      %get3A = arith.index_cast %mul3A_247 : i32 to index
      %get3A_248 = tpu.vector_load %arg9[%get3A] {strides = array<i32>} : memref<10240xi32, #tpu.memory_space<vmem>>, vector<16xi32>,
      %broadcast_in_dim3A_249 = arith.constant true
      %broadcast_in_dim3A_250 = vector.broadcast %broadcast_in_dim3A_249 : i1 to vector<16xi1>
      %masked_cummax3A = arith.constant -2147483648 : i32
      %masked_cummax3A_251 = vector.broadcast %masked_cummax3A : i32 to vector<16xi32>
      %masked_cummax3A_252 = arith.xori %get3A_248, %masked_cummax3A_251 : vector<16xi32>
      %masked_cummax3A_253 = tpu.scan <max>, %masked_cummax3A_252 masked %broadcast_in_dim3A_250 : vector<16xi32>, vector<16xi1> -> vector<16xi32>
      %masked_cummax3A_254 = arith.xori %masked_cummax3A_253, %masked_cummax3A_251 : vector<16xi32>
      %max3A = arith.maxsi %masked_cummax3A_254, %while3A_245 : vector<16xi32>
      %div3A = arith.divsi %while3A_244, %while3A_68 : i32
      %rem3A = arith.remsi %while3A_244, %while3A_68 : i32
      %mul3A_255 = arith.constant 16 : i32
      %mul3A_256 = arith.muli %rem3A, %mul3A_255 : i32
      %swap3A = arith.index_cast %div3A : i32 to index
      %swap3A_257 = arith.index_cast %mul3A_256 : i32 to index
      %swap3A_258 = tpu.vector_load %arg10[%swap3A, %swap3A_257] {strides = array<i32>} : memref<80x128xi32, #tpu.memory_space<vmem>>, vector<16xi32>,
      tpu.vector_store %arg10[%swap3A, %swap3A_257], %max3A {strides = array<i32>} : memref<80x128xi32, #tpu.memory_space<vmem>>, vector<16xi32>,
      %reduce_max3A = arith.constant true
      %reduce_max3A_259 = vector.broadcast %reduce_max3A : i1 to vector<16xi1>
      %reduce_max3A_260 = arith.constant -2147483648 : i32
      %reduce_max3A_261 = vector.broadcast %reduce_max3A_260 : i32 to vector<16xi32>
      %reduce_max3A_262 = arith.xori %max3A, %reduce_max3A_261 : vector<16xi32>
      %reduce_max3A_263 = tpu.scan <max>, %reduce_max3A_262 masked %reduce_max3A_259 : vector<16xi32>, vector<16xi1> -> vector<16xi32>
      %reduce_max3A_264 = arith.xori %reduce_max3A_263, %reduce_max3A_261 : vector<16xi32>
      %reduce_max3A_265 = vector.extract %reduce_max3A_264[15] : i32 from vector<16xi32>
      %broadcast_in_dim3A_266 = vector.broadcast %reduce_max3A_265 : i32 to vector<16xi32>
      scf.yield %broadcast_in_dim3A_266 : vector<16xi32>
    }
    %broadcast_in_dim3A_81 = arith.constant 0.000000e+00 : f32
    %broadcast_in_dim3A_82 = vector.broadcast %broadcast_in_dim3A_81 : f32 to vector<16xf32>
    %while3A_83 = arith.constant 4 : i32
    %while3A_84 = arith.constant 0 : i32
    %while3A_85 = arith.constant 512 : i32
    %while3A_86 = arith.constant 0 : i32
    %while3A_87 = arith.subi %while3A_85, %while3A_84 : i32
    %while3A_88 = arith.addi %while3A_84, %while3A_87 : i32
    %while3A_89 = arith.constant 1 : i32
    %while3A_90 = arith.divsi %while3A_87, %while3A_89 : i32
    %while3A_91 = arith.muli %while3A_90, %while3A_89 : i32
    %while3A_92 = arith.addi %while3A_84, %while3A_91 : i32
    %while3A_93 = arith.constant 1 : i32
    %while3A_94 = scf.for %while3A_244 = %while3A_84 to %while3A_92 step %while3A_93 iter_args(%while3A_245 = %while3A_86) -> (i32)  : i32 {
      %div3A = arith.divsi %while3A_244, %while3A_83 : i32
      %rem3A = arith.remsi %while3A_244, %while3A_83 : i32
      %mul3A_246 = arith.constant 16 : i32
      %mul3A_247 = arith.muli %rem3A, %mul3A_246 : i32
      %swap3A = arith.index_cast %div3A : i32 to index
      %swap3A_248 = arith.index_cast %mul3A_247 : i32 to index
      %swap3A_249 = tpu.vector_load %arg13[%swap3A, %swap3A_248] {strides = array<i32>} : memref<128x64xf32, #tpu.memory_space<vmem>>, vector<16xf32>,
      tpu.vector_store %arg13[%swap3A, %swap3A_248], %broadcast_in_dim3A_82 {strides = array<i32>} : memref<128x64xf32, #tpu.memory_space<vmem>>, vector<16xf32>,
      %while3A_250 = arith.constant 0 : i32
      scf.yield %while3A_250 : i32
    }
    %while3A_95 = arith.constant 1 : i32
    %while3A_96 = scf.for %while3A_244 = %while3A_92 to %while3A_88 step %while3A_95 iter_args(%while3A_245 = %while3A_94) -> (i32)  : i32 {
      %div3A = arith.divsi %while3A_244, %while3A_83 : i32
      %rem3A = arith.remsi %while3A_244, %while3A_83 : i32
      %mul3A_246 = arith.constant 16 : i32
      %mul3A_247 = arith.muli %rem3A, %mul3A_246 : i32
      %swap3A = arith.index_cast %div3A : i32 to index
      %swap3A_248 = arith.index_cast %mul3A_247 : i32 to index
      %swap3A_249 = tpu.vector_load %arg13[%swap3A, %swap3A_248] {strides = array<i32>} : memref<128x64xf32, #tpu.memory_space<vmem>>, vector<16xf32>,
      tpu.vector_store %arg13[%swap3A, %swap3A_248], %broadcast_in_dim3A_82 {strides = array<i32>} : memref<128x64xf32, #tpu.memory_space<vmem>>, vector<16xf32>,
      %while3A_250 = arith.constant 0 : i32
      scf.yield %while3A_250 : i32
    }
    %broadcast_in_dim3A_97 = arith.constant 8192 : i32
    %broadcast_in_dim3A_98 = vector.broadcast %broadcast_in_dim3A_97 : i32 to vector<16xi32>
    %broadcast_in_dim3A_99 = arith.constant 2048 : i32
    %broadcast_in_dim3A_100 = vector.broadcast %broadcast_in_dim3A_99 : i32 to vector<16xi32>
    %while3A_101 = arith.constant 0 : i32
    %while3A_102 = arith.constant 5 : i32
    %while3A_103 = arith.constant 0 : i32
    %while3A_104 = arith.subi %while3A_102, %while3A_101 : i32
    %while3A_105 = arith.addi %while3A_101, %while3A_104 : i32
    %while3A_106 = arith.constant 1 : i32
    %while3A_107 = arith.divsi %while3A_104, %while3A_106 : i32
    %while3A_108 = arith.muli %while3A_107, %while3A_106 : i32
    %while3A_109 = arith.addi %while3A_101, %while3A_108 : i32
    %while3A_110 = arith.constant 1 : i32
    %while3A_111 = scf.for %while3A_244 = %while3A_101 to %while3A_109 step %while3A_110 iter_args(%while3A_245 = %while3A_103) -> (i32)  : i32 {
      %mul3A_246 = arith.constant 640 : i32
      %mul3A_247 = arith.muli %arg1, %mul3A_246 : i32
      %mul3A_248 = arith.constant 128 : i32
      %mul3A_249 = arith.muli %while3A_244, %mul3A_248 : i32
      %add3A_250 = arith.addi %mul3A_247, %mul3A_249 : i32
      "tpu.region"() ({
        %run_scoped3A = tpu.sem_alloc : memref<!tpu.dma_semaphore, #tpu.memory_space<semaphore_mem>>
        %dma_start3A = arith.constant 0 : i32
        %dma_start3A_252 = tpu.memref_slice %arg15[%add3A_250, %dma_start3A] : memref<10240x64xf32, #tpu.memory_space<vmem_shared>> -> memref<128x64xf32, #tpu.memory_space<vmem_shared>>
        %dma_start3A_253 = arith.constant 0 : i32
        %dma_start3A_254 = tpu.memref_slice %arg15[%add3A_250, %dma_start3A_253] : memref<10240x64xf32, #tpu.memory_space<vmem_shared>> -> memref<128x64xf32, #tpu.memory_space<vmem_shared>>
        tpu.enqueue_dma source(%arg13 : memref<128x64xf32, #tpu.memory_space<vmem>>) target(%dma_start3A_254 : memref<128x64xf32, #tpu.memory_space<vmem_shared>>) target_semaphore(%run_scoped3A : memref<!tpu.dma_semaphore, #tpu.memory_space<semaphore_mem>>)
        %dma_wait3A = arith.constant 0 : i32
        %dma_wait3A_255 = tpu.memref_slice %arg15[%add3A_250, %dma_wait3A] : memref<10240x64xf32, #tpu.memory_space<vmem_shared>> -> memref<128x64xf32, #tpu.memory_space<vmem_shared>>
        %dma_wait3A_256 = arith.constant 0 : i32
        %dma_wait3A_257 = tpu.memref_slice %arg15[%add3A_250, %dma_wait3A_256] : memref<10240x64xf32, #tpu.memory_space<vmem_shared>> -> memref<128x64xf32, #tpu.memory_space<vmem_shared>>
        tpu.wait_dma2 semaphore(%run_scoped3A : memref<!tpu.dma_semaphore, #tpu.memory_space<semaphore_mem>>) src(%arg13 : memref<128x64xf32, #tpu.memory_space<vmem>>) dst(%dma_wait3A_257 : memref<128x64xf32, #tpu.memory_space<vmem_shared>>)
        tpu.yield
      }) : () -> ()
      %while3A_251 = arith.constant 0 : i32
      scf.yield %while3A_251 : i32
    }
    %while3A_112 = arith.constant 1 : i32
    %while3A_113 = scf.for %while3A_244 = %while3A_109 to %while3A_105 step %while3A_112 iter_args(%while3A_245 = %while3A_111) -> (i32)  : i32 {
      %mul3A_246 = arith.constant 640 : i32
      %mul3A_247 = arith.muli %arg1, %mul3A_246 : i32
      %mul3A_248 = arith.constant 128 : i32
      %mul3A_249 = arith.muli %while3A_244, %mul3A_248 : i32
      %add3A_250 = arith.addi %mul3A_247, %mul3A_249 : i32
      "tpu.region"() ({
        %run_scoped3A = tpu.sem_alloc : memref<!tpu.dma_semaphore, #tpu.memory_space<semaphore_mem>>
        %dma_start3A = arith.constant 0 : i32
        %dma_start3A_252 = tpu.memref_slice %arg15[%add3A_250, %dma_start3A] : memref<10240x64xf32, #tpu.memory_space<vmem_shared>> -> memref<128x64xf32, #tpu.memory_space<vmem_shared>>
        %dma_start3A_253 = arith.constant 0 : i32
        %dma_start3A_254 = tpu.memref_slice %arg15[%add3A_250, %dma_start3A_253] : memref<10240x64xf32, #tpu.memory_space<vmem_shared>> -> memref<128x64xf32, #tpu.memory_space<vmem_shared>>
        tpu.enqueue_dma source(%arg13 : memref<128x64xf32, #tpu.memory_space<vmem>>) target(%dma_start3A_254 : memref<128x64xf32, #tpu.memory_space<vmem_shared>>) target_semaphore(%run_scoped3A : memref<!tpu.dma_semaphore, #tpu.memory_space<semaphore_mem>>)
        %dma_wait3A = arith.constant 0 : i32
        %dma_wait3A_255 = tpu.memref_slice %arg15[%add3A_250, %dma_wait3A] : memref<10240x64xf32, #tpu.memory_space<vmem_shared>> -> memref<128x64xf32, #tpu.memory_space<vmem_shared>>
        %dma_wait3A_256 = arith.constant 0 : i32
        %dma_wait3A_257 = tpu.memref_slice %arg15[%add3A_250, %dma_wait3A_256] : memref<10240x64xf32, #tpu.memory_space<vmem_shared>> -> memref<128x64xf32, #tpu.memory_space<vmem_shared>>
        tpu.wait_dma2 semaphore(%run_scoped3A : memref<!tpu.dma_semaphore, #tpu.memory_space<semaphore_mem>>) src(%arg13 : memref<128x64xf32, #tpu.memory_space<vmem>>) dst(%dma_wait3A_257 : memref<128x64xf32, #tpu.memory_space<vmem_shared>>)
        tpu.yield
      }) : () -> ()
      %while3A_251 = arith.constant 0 : i32
      scf.yield %while3A_251 : i32
    }
    %broadcast_in_dim3A_114 = arith.constant 0 : i32
    %broadcast_in_dim3A_115 = vector.broadcast %broadcast_in_dim3A_114 : i32 to vector<16xi32>
    %while3A_116 = arith.constant 8 : i32
    %while3A_117 = arith.constant 0 : i32
    %while3A_118 = arith.constant 640 : i32
    %while3A_119 = arith.constant 0 : i32
    %while3A_120 = arith.subi %while3A_118, %while3A_117 : i32
    %while3A_121 = arith.addi %while3A_117, %while3A_120 : i32
    %while3A_122 = arith.constant 1 : i32
    %while3A_123 = arith.divsi %while3A_120, %while3A_122 : i32
    %while3A_124 = arith.muli %while3A_123, %while3A_122 : i32
    %while3A_125 = arith.addi %while3A_117, %while3A_124 : i32
    %while3A_126 = arith.constant 1 : i32
    %while3A_127 = scf.for %while3A_244 = %while3A_117 to %while3A_125 step %while3A_126 iter_args(%while3A_245 = %while3A_119) -> (i32)  : i32 {
      %div3A = arith.divsi %while3A_244, %while3A_116 : i32
      %rem3A = arith.remsi %while3A_244, %while3A_116 : i32
      %mul3A_246 = arith.constant 16 : i32
      %mul3A_247 = arith.muli %rem3A, %mul3A_246 : i32
      %get3A = arith.index_cast %div3A : i32 to index
      %get3A_248 = arith.index_cast %mul3A_247 : i32 to index
      %get3A_249 = tpu.vector_load %arg10[%get3A, %get3A_248] {strides = array<i32>} : memref<80x128xi32, #tpu.memory_space<vmem>>, vector<16xi32>,
      %sub3A_250 = arith.subi %get3A_249, %broadcast_in_dim3A_115 : vector<16xi32>
      %ge3A = arith.constant 0 : i32
      %ge3A_251 = vector.broadcast %ge3A : i32 to vector<16xi32>
      %ge3A_252 = arith.cmpi sge, %sub3A_250, %ge3A_251 : vector<16xi32>
      %lt3A = arith.cmpi slt, %sub3A_250, %broadcast_in_dim3A_98 : vector<16xi32>
      %and3A = arith.andi %ge3A_252, %lt3A : vector<16xi1>
      %rem3A_253 = arith.remsi %get3A_249, %broadcast_in_dim3A_100 : vector<16xi32>
      %add3A_254 = arith.addi %broadcast_in_dim3A_98, %rem3A_253 : vector<16xi32>
      %select_n3A = arith.select %and3A, %sub3A_250, %add3A_254 : vector<16xi1>, vector<16xi32>
      %swap3A = arith.index_cast %div3A : i32 to index
      %swap3A_255 = arith.index_cast %mul3A_247 : i32 to index
      %swap3A_256 = tpu.vector_load %arg11[%swap3A, %swap3A_255] {strides = array<i32>} : memref<80x128xi32, #tpu.memory_space<vmem>>, vector<16xi32>,
      tpu.vector_store %arg11[%swap3A, %swap3A_255], %select_n3A {strides = array<i32>} : memref<80x128xi32, #tpu.memory_space<vmem>>, vector<16xi32>,
      %while3A_257 = arith.constant 0 : i32
      scf.yield %while3A_257 : i32
    }
    %while3A_128 = arith.constant 1 : i32
    %while3A_129 = scf.for %while3A_244 = %while3A_125 to %while3A_121 step %while3A_128 iter_args(%while3A_245 = %while3A_127) -> (i32)  : i32 {
      %div3A = arith.divsi %while3A_244, %while3A_116 : i32
      %rem3A = arith.remsi %while3A_244, %while3A_116 : i32
      %mul3A_246 = arith.constant 16 : i32
      %mul3A_247 = arith.muli %rem3A, %mul3A_246 : i32
      %get3A = arith.index_cast %div3A : i32 to index
      %get3A_248 = arith.index_cast %mul3A_247 : i32 to index
      %get3A_249 = tpu.vector_load %arg10[%get3A, %get3A_248] {strides = array<i32>} : memref<80x128xi32, #tpu.memory_space<vmem>>, vector<16xi32>,
      %sub3A_250 = arith.subi %get3A_249, %broadcast_in_dim3A_115 : vector<16xi32>
      %ge3A = arith.constant 0 : i32
      %ge3A_251 = vector.broadcast %ge3A : i32 to vector<16xi32>
      %ge3A_252 = arith.cmpi sge, %sub3A_250, %ge3A_251 : vector<16xi32>
      %lt3A = arith.cmpi slt, %sub3A_250, %broadcast_in_dim3A_98 : vector<16xi32>
      %and3A = arith.andi %ge3A_252, %lt3A : vector<16xi1>
      %rem3A_253 = arith.remsi %get3A_249, %broadcast_in_dim3A_100 : vector<16xi32>
      %add3A_254 = arith.addi %broadcast_in_dim3A_98, %rem3A_253 : vector<16xi32>
      %select_n3A = arith.select %and3A, %sub3A_250, %add3A_254 : vector<16xi1>, vector<16xi32>
      %swap3A = arith.index_cast %div3A : i32 to index
      %swap3A_255 = arith.index_cast %mul3A_247 : i32 to index
      %swap3A_256 = tpu.vector_load %arg11[%swap3A, %swap3A_255] {strides = array<i32>} : memref<80x128xi32, #tpu.memory_space<vmem>>, vector<16xi32>,
      tpu.vector_store %arg11[%swap3A, %swap3A_255], %select_n3A {strides = array<i32>} : memref<80x128xi32, #tpu.memory_space<vmem>>, vector<16xi32>,
      %while3A_257 = arith.constant 0 : i32
      scf.yield %while3A_257 : i32
    }
    %barrier3A = arith.constant 0 : index
    tpu.barrier barrier_id(%barrier3A)
    %while3A_130 = arith.constant 0 : i32
    %while3A_131 = arith.constant 80 : i32
    %while3A_132 = arith.constant 0 : i32
    %while3A_133 = arith.subi %while3A_131, %while3A_130 : i32
    %while3A_134 = arith.addi %while3A_130, %while3A_133 : i32
    %while3A_135 = arith.constant 1 : i32
    %while3A_136 = arith.divsi %while3A_133, %while3A_135 : i32
    %while3A_137 = arith.muli %while3A_136, %while3A_135 : i32
    %while3A_138 = arith.addi %while3A_130, %while3A_137 : i32
    %while3A_139 = arith.constant 1 : i32
    %while3A_140 = scf.for %while3A_244 = %while3A_130 to %while3A_138 step %while3A_139 iter_args(%while3A_245 = %while3A_132) -> (i32)  : i32 {
      %dma_start3A = arith.constant 0 : i32
      %dma_start3A_246 = tpu.memref_slice %arg12[%while3A_244, %dma_start3A] : memref<80x128xi32, #tpu.memory_space<vmem>> -> memref<1x128xi32, #tpu.memory_space<vmem>>
      %dma_start3A_247 = tpu.memref_squeeze %dma_start3A_246 : memref<1x128xi32, #tpu.memory_space<vmem>> -> memref<128xi32, #tpu.memory_space<vmem>>
      %dma_start3A_248 = arith.constant 0 : i32
      %dma_start3A_249 = arith.constant 0 : i32
      %dma_start3A_250 = tpu.memref_slice %arg2[%dma_start3A_248, %dma_start3A_249] : memref<1000000x64xf32, #tpu.memory_space<hbm>> -> memref<1000000x64xf32, #tpu.memory_space<hbm>>
      tpu.enqueue_indirect_dma source(%dma_start3A_250 : memref<1000000x64xf32, #tpu.memory_space<hbm>>) target(%arg13 : memref<128x64xf32, #tpu.memory_space<vmem>>) offsets(%dma_start3A_247 : memref<128xi32, #tpu.memory_space<vmem>>) semaphore(%arg14 : memref<!tpu.dma_semaphore, #tpu.memory_space<semaphore_mem>>)
      %dma_wait3A = arith.constant 0 : i32
      %dma_wait3A_251 = tpu.memref_slice %arg12[%while3A_244, %dma_wait3A] : memref<80x128xi32, #tpu.memory_space<vmem>> -> memref<1x128xi32, #tpu.memory_space<vmem>>
      %dma_wait3A_252 = tpu.memref_squeeze %dma_wait3A_251 : memref<1x128xi32, #tpu.memory_space<vmem>> -> memref<128xi32, #tpu.memory_space<vmem>>
      %dma_wait3A_253 = arith.constant 0 : i32
      %dma_wait3A_254 = arith.constant 0 : i32
      %dma_wait3A_255 = tpu.memref_slice %arg2[%dma_wait3A_253, %dma_wait3A_254] : memref<1000000x64xf32, #tpu.memory_space<hbm>> -> memref<1000000x64xf32, #tpu.memory_space<hbm>>
      tpu.wait_indirect_dma semaphore(%arg14 : memref<!tpu.dma_semaphore, #tpu.memory_space<semaphore_mem>>) src(%dma_wait3A_255 : memref<1000000x64xf32, #tpu.memory_space<hbm>>) dst(%arg13 : memref<128x64xf32, #tpu.memory_space<vmem>>)
      "tpu.region"() ({
        %run_scoped3A = tpu.sem_alloc : memref<!tpu.dma_semaphore, #tpu.memory_space<semaphore_mem>>
        %dma_start3A_257 = arith.constant 0 : i32
        %dma_start3A_258 = tpu.memref_slice %arg11[%while3A_244, %dma_start3A_257] : memref<80x128xi32, #tpu.memory_space<vmem>> -> memref<1x128xi32, #tpu.memory_space<vmem>>
        %dma_start3A_259 = tpu.memref_squeeze %dma_start3A_258 : memref<1x128xi32, #tpu.memory_space<vmem>> -> memref<128xi32, #tpu.memory_space<vmem>>
        %dma_start3A_260 = arith.constant 0 : i32
        %dma_start3A_261 = arith.constant 0 : i32
        %dma_start3A_262 = tpu.memref_slice %arg15[%dma_start3A_260, %dma_start3A_261] : memref<10240x64xf32, #tpu.memory_space<vmem_shared>> -> memref<10240x64xf32, #tpu.memory_space<vmem_shared>>
        tpu.enqueue_indirect_dma source(%arg13 : memref<128x64xf32, #tpu.memory_space<vmem>>) target(%dma_start3A_262 : memref<10240x64xf32, #tpu.memory_space<vmem_shared>>) offsets(%dma_start3A_259 : memref<128xi32, #tpu.memory_space<vmem>>) semaphore(%run_scoped3A : memref<!tpu.dma_semaphore, #tpu.memory_space<semaphore_mem>>) {add = true}
        %dma_wait3A_263 = arith.constant 0 : i32
        %dma_wait3A_264 = tpu.memref_slice %arg11[%while3A_244, %dma_wait3A_263] : memref<80x128xi32, #tpu.memory_space<vmem>> -> memref<1x128xi32, #tpu.memory_space<vmem>>
        %dma_wait3A_265 = tpu.memref_squeeze %dma_wait3A_264 : memref<1x128xi32, #tpu.memory_space<vmem>> -> memref<128xi32, #tpu.memory_space<vmem>>
        %dma_wait3A_266 = arith.constant 0 : i32
        %dma_wait3A_267 = arith.constant 0 : i32
        %dma_wait3A_268 = tpu.memref_slice %arg15[%dma_wait3A_266, %dma_wait3A_267] : memref<10240x64xf32, #tpu.memory_space<vmem_shared>> -> memref<10240x64xf32, #tpu.memory_space<vmem_shared>>
        tpu.wait_indirect_dma semaphore(%run_scoped3A : memref<!tpu.dma_semaphore, #tpu.memory_space<semaphore_mem>>) src(%arg13 : memref<128x64xf32, #tpu.memory_space<vmem>>) dst(%dma_wait3A_268 : memref<10240x64xf32, #tpu.memory_space<vmem_shared>>)
        tpu.yield
      }) : () -> ()
      %while3A_256 = arith.constant 0 : i32
      scf.yield %while3A_256 : i32
    }
    %while3A_141 = arith.constant 1 : i32
    %while3A_142 = scf.for %while3A_244 = %while3A_138 to %while3A_134 step %while3A_141 iter_args(%while3A_245 = %while3A_140) -> (i32)  : i32 {
      %dma_start3A = arith.constant 0 : i32
      %dma_start3A_246 = tpu.memref_slice %arg12[%while3A_244, %dma_start3A] : memref<80x128xi32, #tpu.memory_space<vmem>> -> memref<1x128xi32, #tpu.memory_space<vmem>>
      %dma_start3A_247 = tpu.memref_squeeze %dma_start3A_246 : memref<1x128xi32, #tpu.memory_space<vmem>> -> memref<128xi32, #tpu.memory_space<vmem>>
      %dma_start3A_248 = arith.constant 0 : i32
      %dma_start3A_249 = arith.constant 0 : i32
      %dma_start3A_250 = tpu.memref_slice %arg2[%dma_start3A_248, %dma_start3A_249] : memref<1000000x64xf32, #tpu.memory_space<hbm>> -> memref<1000000x64xf32, #tpu.memory_space<hbm>>
      tpu.enqueue_indirect_dma source(%dma_start3A_250 : memref<1000000x64xf32, #tpu.memory_space<hbm>>) target(%arg13 : memref<128x64xf32, #tpu.memory_space<vmem>>) offsets(%dma_start3A_247 : memref<128xi32, #tpu.memory_space<vmem>>) semaphore(%arg14 : memref<!tpu.dma_semaphore, #tpu.memory_space<semaphore_mem>>)
      %dma_wait3A = arith.constant 0 : i32
      %dma_wait3A_251 = tpu.memref_slice %arg12[%while3A_244, %dma_wait3A] : memref<80x128xi32, #tpu.memory_space<vmem>> -> memref<1x128xi32, #tpu.memory_space<vmem>>
      %dma_wait3A_252 = tpu.memref_squeeze %dma_wait3A_251 : memref<1x128xi32, #tpu.memory_space<vmem>> -> memref<128xi32, #tpu.memory_space<vmem>>
      %dma_wait3A_253 = arith.constant 0 : i32
      %dma_wait3A_254 = arith.constant 0 : i32
      %dma_wait3A_255 = tpu.memref_slice %arg2[%dma_wait3A_253, %dma_wait3A_254] : memref<1000000x64xf32, #tpu.memory_space<hbm>> -> memref<1000000x64xf32, #tpu.memory_space<hbm>>
      tpu.wait_indirect_dma semaphore(%arg14 : memref<!tpu.dma_semaphore, #tpu.memory_space<semaphore_mem>>) src(%dma_wait3A_255 : memref<1000000x64xf32, #tpu.memory_space<hbm>>) dst(%arg13 : memref<128x64xf32, #tpu.memory_space<vmem>>)
      "tpu.region"() ({
        %run_scoped3A = tpu.sem_alloc : memref<!tpu.dma_semaphore, #tpu.memory_space<semaphore_mem>>
        %dma_start3A_257 = arith.constant 0 : i32
        %dma_start3A_258 = tpu.memref_slice %arg11[%while3A_244, %dma_start3A_257] : memref<80x128xi32, #tpu.memory_space<vmem>> -> memref<1x128xi32, #tpu.memory_space<vmem>>
        %dma_start3A_259 = tpu.memref_squeeze %dma_start3A_258 : memref<1x128xi32, #tpu.memory_space<vmem>> -> memref<128xi32, #tpu.memory_space<vmem>>
        %dma_start3A_260 = arith.constant 0 : i32
        %dma_start3A_261 = arith.constant 0 : i32
        %dma_start3A_262 = tpu.memref_slice %arg15[%dma_start3A_260, %dma_start3A_261] : memref<10240x64xf32, #tpu.memory_space<vmem_shared>> -> memref<10240x64xf32, #tpu.memory_space<vmem_shared>>
        tpu.enqueue_indirect_dma source(%arg13 : memref<128x64xf32, #tpu.memory_space<vmem>>) target(%dma_start3A_262 : memref<10240x64xf32, #tpu.memory_space<vmem_shared>>) offsets(%dma_start3A_259 : memref<128xi32, #tpu.memory_space<vmem>>) semaphore(%run_scoped3A : memref<!tpu.dma_semaphore, #tpu.memory_space<semaphore_mem>>) {add = true}
        %dma_wait3A_263 = arith.constant 0 : i32
        %dma_wait3A_264 = tpu.memref_slice %arg11[%while3A_244, %dma_wait3A_263] : memref<80x128xi32, #tpu.memory_space<vmem>> -> memref<1x128xi32, #tpu.memory_space<vmem>>
        %dma_wait3A_265 = tpu.memref_squeeze %dma_wait3A_264 : memref<1x128xi32, #tpu.memory_space<vmem>> -> memref<128xi32, #tpu.memory_space<vmem>>
        %dma_wait3A_266 = arith.constant 0 : i32
        %dma_wait3A_267 = arith.constant 0 : i32
        %dma_wait3A_268 = tpu.memref_slice %arg15[%dma_wait3A_266, %dma_wait3A_267] : memref<10240x64xf32, #tpu.memory_space<vmem_shared>> -> memref<10240x64xf32, #tpu.memory_space<vmem_shared>>
        tpu.wait_indirect_dma semaphore(%run_scoped3A : memref<!tpu.dma_semaphore, #tpu.memory_space<semaphore_mem>>) src(%arg13 : memref<128x64xf32, #tpu.memory_space<vmem>>) dst(%dma_wait3A_268 : memref<10240x64xf32, #tpu.memory_space<vmem_shared>>)
        tpu.yield
      }) : () -> ()
      %while3A_256 = arith.constant 0 : i32
      scf.yield %while3A_256 : i32
    }
    %barrier3A_143 = arith.constant 0 : index
    tpu.barrier barrier_id(%barrier3A_143)
    %while3A_144 = arith.constant 0 : i32
    %while3A_145 = arith.constant 4 : i32
    %while3A_146 = arith.constant 0 : i32
    %while3A_147 = arith.subi %while3A_145, %while3A_144 : i32
    %while3A_148 = arith.addi %while3A_144, %while3A_147 : i32
    %while3A_149 = arith.constant 1 : i32
    %while3A_150 = arith.divsi %while3A_147, %while3A_149 : i32
    %while3A_151 = arith.muli %while3A_150, %while3A_149 : i32
    %while3A_152 = arith.addi %while3A_144, %while3A_151 : i32
    %while3A_153 = arith.constant 1 : i32
    %while3A_154 = scf.for %while3A_244 = %while3A_144 to %while3A_152 step %while3A_153 iter_args(%while3A_245 = %while3A_146) -> (i32)  : i32 {
      %mul3A_246 = arith.constant 512 : i32
      %mul3A_247 = arith.muli %arg1, %mul3A_246 : i32
      %mul3A_248 = arith.constant 128 : i32
      %mul3A_249 = arith.muli %while3A_244, %mul3A_248 : i32
      %add3A_250 = arith.addi %mul3A_247, %mul3A_249 : i32
      "tpu.region"() ({
        %run_scoped3A = tpu.sem_alloc : memref<!tpu.dma_semaphore, #tpu.memory_space<semaphore_mem>>
        %dma_start3A = arith.constant 0 : i32
        %dma_start3A_254 = tpu.memref_slice %arg15[%add3A_250, %dma_start3A] : memref<10240x64xf32, #tpu.memory_space<vmem_shared>> -> memref<128x64xf32, #tpu.memory_space<vmem_shared>>
        %dma_start3A_255 = arith.constant 0 : i32
        %dma_start3A_256 = tpu.memref_slice %arg15[%add3A_250, %dma_start3A_255] : memref<10240x64xf32, #tpu.memory_space<vmem_shared>> -> memref<128x64xf32, #tpu.memory_space<vmem_shared>>
        tpu.enqueue_dma source(%dma_start3A_256 : memref<128x64xf32, #tpu.memory_space<vmem_shared>>) target(%arg13 : memref<128x64xf32, #tpu.memory_space<vmem>>) target_semaphore(%run_scoped3A : memref<!tpu.dma_semaphore, #tpu.memory_space<semaphore_mem>>)
        %dma_wait3A = arith.constant 0 : i32
        %dma_wait3A_257 = tpu.memref_slice %arg15[%add3A_250, %dma_wait3A] : memref<10240x64xf32, #tpu.memory_space<vmem_shared>> -> memref<128x64xf32, #tpu.memory_space<vmem_shared>>
        %dma_wait3A_258 = arith.constant 0 : i32
        %dma_wait3A_259 = tpu.memref_slice %arg15[%add3A_250, %dma_wait3A_258] : memref<10240x64xf32, #tpu.memory_space<vmem_shared>> -> memref<128x64xf32, #tpu.memory_space<vmem_shared>>
        tpu.wait_dma2 semaphore(%run_scoped3A : memref<!tpu.dma_semaphore, #tpu.memory_space<semaphore_mem>>) src(%dma_wait3A_259 : memref<128x64xf32, #tpu.memory_space<vmem_shared>>) dst(%arg13 : memref<128x64xf32, #tpu.memory_space<vmem>>)
        tpu.yield
      }) : () -> ()
      %add3A_251 = arith.constant 0 : i32
      %add3A_252 = arith.addi %add3A_251, %add3A_250 : i32
      "tpu.region"() ({
        %run_scoped3A = tpu.sem_alloc : memref<!tpu.dma_semaphore, #tpu.memory_space<semaphore_mem>>
        %dma_start3A = arith.constant 0 : i32
        %dma_start3A_254 = tpu.memref_slice %arg6[%arg0, %add3A_252, %dma_start3A] : memref<2x16384x64xf32, #tpu.memory_space<hbm>> -> memref<1x128x64xf32, #tpu.memory_space<hbm>>
        %dma_start3A_255 = tpu.memref_squeeze %dma_start3A_254 : memref<1x128x64xf32, #tpu.memory_space<hbm>> -> memref<128x64xf32, #tpu.memory_space<hbm>>
        %dma_start3A_256 = arith.constant 0 : i32
        %dma_start3A_257 = tpu.memref_slice %arg6[%arg0, %add3A_252, %dma_start3A_256] : memref<2x16384x64xf32, #tpu.memory_space<hbm>> -> memref<1x128x64xf32, #tpu.memory_space<hbm>>
        %dma_start3A_258 = tpu.memref_squeeze %dma_start3A_257 : memref<1x128x64xf32, #tpu.memory_space<hbm>> -> memref<128x64xf32, #tpu.memory_space<hbm>>
        tpu.enqueue_dma source(%arg13 : memref<128x64xf32, #tpu.memory_space<vmem>>) target(%dma_start3A_258 : memref<128x64xf32, #tpu.memory_space<hbm>>) target_semaphore(%run_scoped3A : memref<!tpu.dma_semaphore, #tpu.memory_space<semaphore_mem>>)
        %dma_wait3A = arith.constant 0 : i32
        %dma_wait3A_259 = tpu.memref_slice %arg6[%arg0, %add3A_252, %dma_wait3A] : memref<2x16384x64xf32, #tpu.memory_space<hbm>> -> memref<1x128x64xf32, #tpu.memory_space<hbm>>
        %dma_wait3A_260 = tpu.memref_squeeze %dma_wait3A_259 : memref<1x128x64xf32, #tpu.memory_space<hbm>> -> memref<128x64xf32, #tpu.memory_space<hbm>>
        %dma_wait3A_261 = arith.constant 0 : i32
        %dma_wait3A_262 = tpu.memref_slice %arg6[%arg0, %add3A_252, %dma_wait3A_261] : memref<2x16384x64xf32, #tpu.memory_space<hbm>> -> memref<1x128x64xf32, #tpu.memory_space<hbm>>
        %dma_wait3A_263 = tpu.memref_squeeze %dma_wait3A_262 : memref<1x128x64xf32, #tpu.memory_space<hbm>> -> memref<128x64xf32, #tpu.memory_space<hbm>>
        tpu.wait_dma2 semaphore(%run_scoped3A : memref<!tpu.dma_semaphore, #tpu.memory_space<semaphore_mem>>) src(%arg13 : memref<128x64xf32, #tpu.memory_space<vmem>>) dst(%dma_wait3A_263 : memref<128x64xf32, #tpu.memory_space<hbm>>)
        tpu.yield
      }) : () -> ()
      %while3A_253 = arith.constant 0 : i32
      scf.yield %while3A_253 : i32
    }
    %while3A_155 = arith.constant 1 : i32
    %while3A_156 = scf.for %while3A_244 = %while3A_152 to %while3A_148 step %while3A_155 iter_args(%while3A_245 = %while3A_154) -> (i32)  : i32 {
      %mul3A_246 = arith.constant 512 : i32
      %mul3A_247 = arith.muli %arg1, %mul3A_246 : i32
      %mul3A_248 = arith.constant 128 : i32
      %mul3A_249 = arith.muli %while3A_244, %mul3A_248 : i32
      %add3A_250 = arith.addi %mul3A_247, %mul3A_249 : i32
      "tpu.region"() ({
        %run_scoped3A = tpu.sem_alloc : memref<!tpu.dma_semaphore, #tpu.memory_space<semaphore_mem>>
        %dma_start3A = arith.constant 0 : i32
        %dma_start3A_254 = tpu.memref_slice %arg15[%add3A_250, %dma_start3A] : memref<10240x64xf32, #tpu.memory_space<vmem_shared>> -> memref<128x64xf32, #tpu.memory_space<vmem_shared>>
        %dma_start3A_255 = arith.constant 0 : i32
        %dma_start3A_256 = tpu.memref_slice %arg15[%add3A_250, %dma_start3A_255] : memref<10240x64xf32, #tpu.memory_space<vmem_shared>> -> memref<128x64xf32, #tpu.memory_space<vmem_shared>>
        tpu.enqueue_dma source(%dma_start3A_256 : memref<128x64xf32, #tpu.memory_space<vmem_shared>>) target(%arg13 : memref<128x64xf32, #tpu.memory_space<vmem>>) target_semaphore(%run_scoped3A : memref<!tpu.dma_semaphore, #tpu.memory_space<semaphore_mem>>)
        %dma_wait3A = arith.constant 0 : i32
        %dma_wait3A_257 = tpu.memref_slice %arg15[%add3A_250, %dma_wait3A] : memref<10240x64xf32, #tpu.memory_space<vmem_shared>> -> memref<128x64xf32, #tpu.memory_space<vmem_shared>>
        %dma_wait3A_258 = arith.constant 0 : i32
        %dma_wait3A_259 = tpu.memref_slice %arg15[%add3A_250, %dma_wait3A_258] : memref<10240x64xf32, #tpu.memory_space<vmem_shared>> -> memref<128x64xf32, #tpu.memory_space<vmem_shared>>
        tpu.wait_dma2 semaphore(%run_scoped3A : memref<!tpu.dma_semaphore, #tpu.memory_space<semaphore_mem>>) src(%dma_wait3A_259 : memref<128x64xf32, #tpu.memory_space<vmem_shared>>) dst(%arg13 : memref<128x64xf32, #tpu.memory_space<vmem>>)
        tpu.yield
      }) : () -> ()
      %add3A_251 = arith.constant 0 : i32
      %add3A_252 = arith.addi %add3A_251, %add3A_250 : i32
      "tpu.region"() ({
        %run_scoped3A = tpu.sem_alloc : memref<!tpu.dma_semaphore, #tpu.memory_space<semaphore_mem>>
        %dma_start3A = arith.constant 0 : i32
        %dma_start3A_254 = tpu.memref_slice %arg6[%arg0, %add3A_252, %dma_start3A] : memref<2x16384x64xf32, #tpu.memory_space<hbm>> -> memref<1x128x64xf32, #tpu.memory_space<hbm>>
        %dma_start3A_255 = tpu.memref_squeeze %dma_start3A_254 : memref<1x128x64xf32, #tpu.memory_space<hbm>> -> memref<128x64xf32, #tpu.memory_space<hbm>>
        %dma_start3A_256 = arith.constant 0 : i32
        %dma_start3A_257 = tpu.memref_slice %arg6[%arg0, %add3A_252, %dma_start3A_256] : memref<2x16384x64xf32, #tpu.memory_space<hbm>> -> memref<1x128x64xf32, #tpu.memory_space<hbm>>
        %dma_start3A_258 = tpu.memref_squeeze %dma_start3A_257 : memref<1x128x64xf32, #tpu.memory_space<hbm>> -> memref<128x64xf32, #tpu.memory_space<hbm>>
        tpu.enqueue_dma source(%arg13 : memref<128x64xf32, #tpu.memory_space<vmem>>) target(%dma_start3A_258 : memref<128x64xf32, #tpu.memory_space<hbm>>) target_semaphore(%run_scoped3A : memref<!tpu.dma_semaphore, #tpu.memory_space<semaphore_mem>>)
        %dma_wait3A = arith.constant 0 : i32
        %dma_wait3A_259 = tpu.memref_slice %arg6[%arg0, %add3A_252, %dma_wait3A] : memref<2x16384x64xf32, #tpu.memory_space<hbm>> -> memref<1x128x64xf32, #tpu.memory_space<hbm>>
        %dma_wait3A_260 = tpu.memref_squeeze %dma_wait3A_259 : memref<1x128x64xf32, #tpu.memory_space<hbm>> -> memref<128x64xf32, #tpu.memory_space<hbm>>
        %dma_wait3A_261 = arith.constant 0 : i32
        %dma_wait3A_262 = tpu.memref_slice %arg6[%arg0, %add3A_252, %dma_wait3A_261] : memref<2x16384x64xf32, #tpu.memory_space<hbm>> -> memref<1x128x64xf32, #tpu.memory_space<hbm>>
        %dma_wait3A_263 = tpu.memref_squeeze %dma_wait3A_262 : memref<1x128x64xf32, #tpu.memory_space<hbm>> -> memref<128x64xf32, #tpu.memory_space<hbm>>
        tpu.wait_dma2 semaphore(%run_scoped3A : memref<!tpu.dma_semaphore, #tpu.memory_space<semaphore_mem>>) src(%arg13 : memref<128x64xf32, #tpu.memory_space<vmem>>) dst(%dma_wait3A_263 : memref<128x64xf32, #tpu.memory_space<hbm>>)
        tpu.yield
      }) : () -> ()
      %while3A_253 = arith.constant 0 : i32
      scf.yield %while3A_253 : i32
    }
    %barrier3A_157 = arith.constant 0 : index
    tpu.barrier barrier_id(%barrier3A_157)
    %while3A_158 = arith.constant 4 : i32
    %while3A_159 = arith.constant 0 : i32
    %while3A_160 = arith.constant 512 : i32
    %while3A_161 = arith.constant 0 : i32
    %while3A_162 = arith.subi %while3A_160, %while3A_159 : i32
    %while3A_163 = arith.addi %while3A_159, %while3A_162 : i32
    %while3A_164 = arith.constant 1 : i32
    %while3A_165 = arith.divsi %while3A_162, %while3A_164 : i32
    %while3A_166 = arith.muli %while3A_165, %while3A_164 : i32
    %while3A_167 = arith.addi %while3A_159, %while3A_166 : i32
    %while3A_168 = arith.constant 1 : i32
    %while3A_169 = scf.for %while3A_244 = %while3A_159 to %while3A_167 step %while3A_168 iter_args(%while3A_245 = %while3A_161) -> (i32)  : i32 {
      %div3A = arith.divsi %while3A_244, %while3A_158 : i32
      %rem3A = arith.remsi %while3A_244, %while3A_158 : i32
      %mul3A_246 = arith.constant 16 : i32
      %mul3A_247 = arith.muli %rem3A, %mul3A_246 : i32
      %swap3A = arith.index_cast %div3A : i32 to index
      %swap3A_248 = arith.index_cast %mul3A_247 : i32 to index
      %swap3A_249 = tpu.vector_load %arg13[%swap3A, %swap3A_248] {strides = array<i32>} : memref<128x64xf32, #tpu.memory_space<vmem>>, vector<16xf32>,
      tpu.vector_store %arg13[%swap3A, %swap3A_248], %broadcast_in_dim3A_82 {strides = array<i32>} : memref<128x64xf32, #tpu.memory_space<vmem>>, vector<16xf32>,
      %while3A_250 = arith.constant 0 : i32
      scf.yield %while3A_250 : i32
    }
    %while3A_170 = arith.constant 1 : i32
    %while3A_171 = scf.for %while3A_244 = %while3A_167 to %while3A_163 step %while3A_170 iter_args(%while3A_245 = %while3A_169) -> (i32)  : i32 {
      %div3A = arith.divsi %while3A_244, %while3A_158 : i32
      %rem3A = arith.remsi %while3A_244, %while3A_158 : i32
      %mul3A_246 = arith.constant 16 : i32
      %mul3A_247 = arith.muli %rem3A, %mul3A_246 : i32
      %swap3A = arith.index_cast %div3A : i32 to index
      %swap3A_248 = arith.index_cast %mul3A_247 : i32 to index
      %swap3A_249 = tpu.vector_load %arg13[%swap3A, %swap3A_248] {strides = array<i32>} : memref<128x64xf32, #tpu.memory_space<vmem>>, vector<16xf32>,
      tpu.vector_store %arg13[%swap3A, %swap3A_248], %broadcast_in_dim3A_82 {strides = array<i32>} : memref<128x64xf32, #tpu.memory_space<vmem>>, vector<16xf32>,
      %while3A_250 = arith.constant 0 : i32
      scf.yield %while3A_250 : i32
    }
    %while3A_172 = arith.constant 0 : i32
    %while3A_173 = arith.constant 5 : i32
    %while3A_174 = arith.constant 0 : i32
    %while3A_175 = arith.subi %while3A_173, %while3A_172 : i32
    %while3A_176 = arith.addi %while3A_172, %while3A_175 : i32
    %while3A_177 = arith.constant 1 : i32
    %while3A_178 = arith.divsi %while3A_175, %while3A_177 : i32
    %while3A_179 = arith.muli %while3A_178, %while3A_177 : i32
    %while3A_180 = arith.addi %while3A_172, %while3A_179 : i32
    %while3A_181 = arith.constant 1 : i32
    %while3A_182 = scf.for %while3A_244 = %while3A_172 to %while3A_180 step %while3A_181 iter_args(%while3A_245 = %while3A_174) -> (i32)  : i32 {
      %mul3A_246 = arith.constant 640 : i32
      %mul3A_247 = arith.muli %arg1, %mul3A_246 : i32
      %mul3A_248 = arith.constant 128 : i32
      %mul3A_249 = arith.muli %while3A_244, %mul3A_248 : i32
      %add3A_250 = arith.addi %mul3A_247, %mul3A_249 : i32
      "tpu.region"() ({
        %run_scoped3A = tpu.sem_alloc : memref<!tpu.dma_semaphore, #tpu.memory_space<semaphore_mem>>
        %dma_start3A = arith.constant 0 : i32
        %dma_start3A_252 = tpu.memref_slice %arg15[%add3A_250, %dma_start3A] : memref<10240x64xf32, #tpu.memory_space<vmem_shared>> -> memref<128x64xf32, #tpu.memory_space<vmem_shared>>
        %dma_start3A_253 = arith.constant 0 : i32
        %dma_start3A_254 = tpu.memref_slice %arg15[%add3A_250, %dma_start3A_253] : memref<10240x64xf32, #tpu.memory_space<vmem_shared>> -> memref<128x64xf32, #tpu.memory_space<vmem_shared>>
        tpu.enqueue_dma source(%arg13 : memref<128x64xf32, #tpu.memory_space<vmem>>) target(%dma_start3A_254 : memref<128x64xf32, #tpu.memory_space<vmem_shared>>) target_semaphore(%run_scoped3A : memref<!tpu.dma_semaphore, #tpu.memory_space<semaphore_mem>>)
        %dma_wait3A = arith.constant 0 : i32
        %dma_wait3A_255 = tpu.memref_slice %arg15[%add3A_250, %dma_wait3A] : memref<10240x64xf32, #tpu.memory_space<vmem_shared>> -> memref<128x64xf32, #tpu.memory_space<vmem_shared>>
        %dma_wait3A_256 = arith.constant 0 : i32
        %dma_wait3A_257 = tpu.memref_slice %arg15[%add3A_250, %dma_wait3A_256] : memref<10240x64xf32, #tpu.memory_space<vmem_shared>> -> memref<128x64xf32, #tpu.memory_space<vmem_shared>>
        tpu.wait_dma2 semaphore(%run_scoped3A : memref<!tpu.dma_semaphore, #tpu.memory_space<semaphore_mem>>) src(%arg13 : memref<128x64xf32, #tpu.memory_space<vmem>>) dst(%dma_wait3A_257 : memref<128x64xf32, #tpu.memory_space<vmem_shared>>)
        tpu.yield
      }) : () -> ()
      %while3A_251 = arith.constant 0 : i32
      scf.yield %while3A_251 : i32
    }
    %while3A_183 = arith.constant 1 : i32
    %while3A_184 = scf.for %while3A_244 = %while3A_180 to %while3A_176 step %while3A_183 iter_args(%while3A_245 = %while3A_182) -> (i32)  : i32 {
      %mul3A_246 = arith.constant 640 : i32
      %mul3A_247 = arith.muli %arg1, %mul3A_246 : i32
      %mul3A_248 = arith.constant 128 : i32
      %mul3A_249 = arith.muli %while3A_244, %mul3A_248 : i32
      %add3A_250 = arith.addi %mul3A_247, %mul3A_249 : i32
      "tpu.region"() ({
        %run_scoped3A = tpu.sem_alloc : memref<!tpu.dma_semaphore, #tpu.memory_space<semaphore_mem>>
        %dma_start3A = arith.constant 0 : i32
        %dma_start3A_252 = tpu.memref_slice %arg15[%add3A_250, %dma_start3A] : memref<10240x64xf32, #tpu.memory_space<vmem_shared>> -> memref<128x64xf32, #tpu.memory_space<vmem_shared>>
        %dma_start3A_253 = arith.constant 0 : i32
        %dma_start3A_254 = tpu.memref_slice %arg15[%add3A_250, %dma_start3A_253] : memref<10240x64xf32, #tpu.memory_space<vmem_shared>> -> memref<128x64xf32, #tpu.memory_space<vmem_shared>>
        tpu.enqueue_dma source(%arg13 : memref<128x64xf32, #tpu.memory_space<vmem>>) target(%dma_start3A_254 : memref<128x64xf32, #tpu.memory_space<vmem_shared>>) target_semaphore(%run_scoped3A : memref<!tpu.dma_semaphore, #tpu.memory_space<semaphore_mem>>)
        %dma_wait3A = arith.constant 0 : i32
        %dma_wait3A_255 = tpu.memref_slice %arg15[%add3A_250, %dma_wait3A] : memref<10240x64xf32, #tpu.memory_space<vmem_shared>> -> memref<128x64xf32, #tpu.memory_space<vmem_shared>>
        %dma_wait3A_256 = arith.constant 0 : i32
        %dma_wait3A_257 = tpu.memref_slice %arg15[%add3A_250, %dma_wait3A_256] : memref<10240x64xf32, #tpu.memory_space<vmem_shared>> -> memref<128x64xf32, #tpu.memory_space<vmem_shared>>
        tpu.wait_dma2 semaphore(%run_scoped3A : memref<!tpu.dma_semaphore, #tpu.memory_space<semaphore_mem>>) src(%arg13 : memref<128x64xf32, #tpu.memory_space<vmem>>) dst(%dma_wait3A_257 : memref<128x64xf32, #tpu.memory_space<vmem_shared>>)
        tpu.yield
      }) : () -> ()
      %while3A_251 = arith.constant 0 : i32
      scf.yield %while3A_251 : i32
    }
    %broadcast_in_dim3A_185 = arith.constant 8192 : i32
    %broadcast_in_dim3A_186 = vector.broadcast %broadcast_in_dim3A_185 : i32 to vector<16xi32>
    %while3A_187 = arith.constant 8 : i32
    %while3A_188 = arith.constant 0 : i32
    %while3A_189 = arith.constant 640 : i32
    %while3A_190 = arith.constant 0 : i32
    %while3A_191 = arith.subi %while3A_189, %while3A_188 : i32
    %while3A_192 = arith.addi %while3A_188, %while3A_191 : i32
    %while3A_193 = arith.constant 1 : i32
    %while3A_194 = arith.divsi %while3A_191, %while3A_193 : i32
    %while3A_195 = arith.muli %while3A_194, %while3A_193 : i32
    %while3A_196 = arith.addi %while3A_188, %while3A_195 : i32
    %while3A_197 = arith.constant 1 : i32
    %while3A_198 = scf.for %while3A_244 = %while3A_188 to %while3A_196 step %while3A_197 iter_args(%while3A_245 = %while3A_190) -> (i32)  : i32 {
      %div3A = arith.divsi %while3A_244, %while3A_187 : i32
      %rem3A = arith.remsi %while3A_244, %while3A_187 : i32
      %mul3A_246 = arith.constant 16 : i32
      %mul3A_247 = arith.muli %rem3A, %mul3A_246 : i32
      %get3A = arith.index_cast %div3A : i32 to index
      %get3A_248 = arith.index_cast %mul3A_247 : i32 to index
      %get3A_249 = tpu.vector_load %arg10[%get3A, %get3A_248] {strides = array<i32>} : memref<80x128xi32, #tpu.memory_space<vmem>>, vector<16xi32>,
      %sub3A_250 = arith.subi %get3A_249, %broadcast_in_dim3A_186 : vector<16xi32>
      %ge3A = arith.constant 0 : i32
      %ge3A_251 = vector.broadcast %ge3A : i32 to vector<16xi32>
      %ge3A_252 = arith.cmpi sge, %sub3A_250, %ge3A_251 : vector<16xi32>
      %lt3A = arith.cmpi slt, %sub3A_250, %broadcast_in_dim3A_98 : vector<16xi32>
      %and3A = arith.andi %ge3A_252, %lt3A : vector<16xi1>
      %rem3A_253 = arith.remsi %get3A_249, %broadcast_in_dim3A_100 : vector<16xi32>
      %add3A_254 = arith.addi %broadcast_in_dim3A_98, %rem3A_253 : vector<16xi32>
      %select_n3A = arith.select %and3A, %sub3A_250, %add3A_254 : vector<16xi1>, vector<16xi32>
      %swap3A = arith.index_cast %div3A : i32 to index
      %swap3A_255 = arith.index_cast %mul3A_247 : i32 to index
      %swap3A_256 = tpu.vector_load %arg11[%swap3A, %swap3A_255] {strides = array<i32>} : memref<80x128xi32, #tpu.memory_space<vmem>>, vector<16xi32>,
      tpu.vector_store %arg11[%swap3A, %swap3A_255], %select_n3A {strides = array<i32>} : memref<80x128xi32, #tpu.memory_space<vmem>>, vector<16xi32>,
      %while3A_257 = arith.constant 0 : i32
      scf.yield %while3A_257 : i32
    }
    %while3A_199 = arith.constant 1 : i32
    %while3A_200 = scf.for %while3A_244 = %while3A_196 to %while3A_192 step %while3A_199 iter_args(%while3A_245 = %while3A_198) -> (i32)  : i32 {
      %div3A = arith.divsi %while3A_244, %while3A_187 : i32
      %rem3A = arith.remsi %while3A_244, %while3A_187 : i32
      %mul3A_246 = arith.constant 16 : i32
      %mul3A_247 = arith.muli %rem3A, %mul3A_246 : i32
      %get3A = arith.index_cast %div3A : i32 to index
      %get3A_248 = arith.index_cast %mul3A_247 : i32 to index
      %get3A_249 = tpu.vector_load %arg10[%get3A, %get3A_248] {strides = array<i32>} : memref<80x128xi32, #tpu.memory_space<vmem>>, vector<16xi32>,
      %sub3A_250 = arith.subi %get3A_249, %broadcast_in_dim3A_186 : vector<16xi32>
      %ge3A = arith.constant 0 : i32
      %ge3A_251 = vector.broadcast %ge3A : i32 to vector<16xi32>
      %ge3A_252 = arith.cmpi sge, %sub3A_250, %ge3A_251 : vector<16xi32>
      %lt3A = arith.cmpi slt, %sub3A_250, %broadcast_in_dim3A_98 : vector<16xi32>
      %and3A = arith.andi %ge3A_252, %lt3A : vector<16xi1>
      %rem3A_253 = arith.remsi %get3A_249, %broadcast_in_dim3A_100 : vector<16xi32>
      %add3A_254 = arith.addi %broadcast_in_dim3A_98, %rem3A_253 : vector<16xi32>
      %select_n3A = arith.select %and3A, %sub3A_250, %add3A_254 : vector<16xi1>, vector<16xi32>
      %swap3A = arith.index_cast %div3A : i32 to index
      %swap3A_255 = arith.index_cast %mul3A_247 : i32 to index
      %swap3A_256 = tpu.vector_load %arg11[%swap3A, %swap3A_255] {strides = array<i32>} : memref<80x128xi32, #tpu.memory_space<vmem>>, vector<16xi32>,
      tpu.vector_store %arg11[%swap3A, %swap3A_255], %select_n3A {strides = array<i32>} : memref<80x128xi32, #tpu.memory_space<vmem>>, vector<16xi32>,
      %while3A_257 = arith.constant 0 : i32
      scf.yield %while3A_257 : i32
    }
    %barrier3A_201 = arith.constant 0 : index
    tpu.barrier barrier_id(%barrier3A_201)
    %while3A_202 = arith.constant 0 : i32
    %while3A_203 = arith.constant 80 : i32
    %while3A_204 = arith.constant 0 : i32
    %while3A_205 = arith.subi %while3A_203, %while3A_202 : i32
    %while3A_206 = arith.addi %while3A_202, %while3A_205 : i32
    %while3A_207 = arith.constant 1 : i32
    %while3A_208 = arith.divsi %while3A_205, %while3A_207 : i32
    %while3A_209 = arith.muli %while3A_208, %while3A_207 : i32
    %while3A_210 = arith.addi %while3A_202, %while3A_209 : i32
    %while3A_211 = arith.constant 1 : i32
    %while3A_212 = scf.for %while3A_244 = %while3A_202 to %while3A_210 step %while3A_211 iter_args(%while3A_245 = %while3A_204) -> (i32)  : i32 {
      %dma_start3A = arith.constant 0 : i32
      %dma_start3A_246 = tpu.memref_slice %arg12[%while3A_244, %dma_start3A] : memref<80x128xi32, #tpu.memory_space<vmem>> -> memref<1x128xi32, #tpu.memory_space<vmem>>
      %dma_start3A_247 = tpu.memref_squeeze %dma_start3A_246 : memref<1x128xi32, #tpu.memory_space<vmem>> -> memref<128xi32, #tpu.memory_space<vmem>>
      %dma_start3A_248 = arith.constant 0 : i32
      %dma_start3A_249 = arith.constant 0 : i32
      %dma_start3A_250 = tpu.memref_slice %arg2[%dma_start3A_248, %dma_start3A_249] : memref<1000000x64xf32, #tpu.memory_space<hbm>> -> memref<1000000x64xf32, #tpu.memory_space<hbm>>
      tpu.enqueue_indirect_dma source(%dma_start3A_250 : memref<1000000x64xf32, #tpu.memory_space<hbm>>) target(%arg13 : memref<128x64xf32, #tpu.memory_space<vmem>>) offsets(%dma_start3A_247 : memref<128xi32, #tpu.memory_space<vmem>>) semaphore(%arg14 : memref<!tpu.dma_semaphore, #tpu.memory_space<semaphore_mem>>)
      %dma_wait3A = arith.constant 0 : i32
      %dma_wait3A_251 = tpu.memref_slice %arg12[%while3A_244, %dma_wait3A] : memref<80x128xi32, #tpu.memory_space<vmem>> -> memref<1x128xi32, #tpu.memory_space<vmem>>
      %dma_wait3A_252 = tpu.memref_squeeze %dma_wait3A_251 : memref<1x128xi32, #tpu.memory_space<vmem>> -> memref<128xi32, #tpu.memory_space<vmem>>
      %dma_wait3A_253 = arith.constant 0 : i32
      %dma_wait3A_254 = arith.constant 0 : i32
      %dma_wait3A_255 = tpu.memref_slice %arg2[%dma_wait3A_253, %dma_wait3A_254] : memref<1000000x64xf32, #tpu.memory_space<hbm>> -> memref<1000000x64xf32, #tpu.memory_space<hbm>>
      tpu.wait_indirect_dma semaphore(%arg14 : memref<!tpu.dma_semaphore, #tpu.memory_space<semaphore_mem>>) src(%dma_wait3A_255 : memref<1000000x64xf32, #tpu.memory_space<hbm>>) dst(%arg13 : memref<128x64xf32, #tpu.memory_space<vmem>>)
      "tpu.region"() ({
        %run_scoped3A = tpu.sem_alloc : memref<!tpu.dma_semaphore, #tpu.memory_space<semaphore_mem>>
        %dma_start3A_257 = arith.constant 0 : i32
        %dma_start3A_258 = tpu.memref_slice %arg11[%while3A_244, %dma_start3A_257] : memref<80x128xi32, #tpu.memory_space<vmem>> -> memref<1x128xi32, #tpu.memory_space<vmem>>
        %dma_start3A_259 = tpu.memref_squeeze %dma_start3A_258 : memref<1x128xi32, #tpu.memory_space<vmem>> -> memref<128xi32, #tpu.memory_space<vmem>>
        %dma_start3A_260 = arith.constant 0 : i32
        %dma_start3A_261 = arith.constant 0 : i32
        %dma_start3A_262 = tpu.memref_slice %arg15[%dma_start3A_260, %dma_start3A_261] : memref<10240x64xf32, #tpu.memory_space<vmem_shared>> -> memref<10240x64xf32, #tpu.memory_space<vmem_shared>>
        tpu.enqueue_indirect_dma source(%arg13 : memref<128x64xf32, #tpu.memory_space<vmem>>) target(%dma_start3A_262 : memref<10240x64xf32, #tpu.memory_space<vmem_shared>>) offsets(%dma_start3A_259 : memref<128xi32, #tpu.memory_space<vmem>>) semaphore(%run_scoped3A : memref<!tpu.dma_semaphore, #tpu.memory_space<semaphore_mem>>) {add = true}
        %dma_wait3A_263 = arith.constant 0 : i32
        %dma_wait3A_264 = tpu.memref_slice %arg11[%while3A_244, %dma_wait3A_263] : memref<80x128xi32, #tpu.memory_space<vmem>> -> memref<1x128xi32, #tpu.memory_space<vmem>>
        %dma_wait3A_265 = tpu.memref_squeeze %dma_wait3A_264 : memref<1x128xi32, #tpu.memory_space<vmem>> -> memref<128xi32, #tpu.memory_space<vmem>>
        %dma_wait3A_266 = arith.constant 0 : i32
        %dma_wait3A_267 = arith.constant 0 : i32
        %dma_wait3A_268 = tpu.memref_slice %arg15[%dma_wait3A_266, %dma_wait3A_267] : memref<10240x64xf32, #tpu.memory_space<vmem_shared>> -> memref<10240x64xf32, #tpu.memory_space<vmem_shared>>
        tpu.wait_indirect_dma semaphore(%run_scoped3A : memref<!tpu.dma_semaphore, #tpu.memory_space<semaphore_mem>>) src(%arg13 : memref<128x64xf32, #tpu.memory_space<vmem>>) dst(%dma_wait3A_268 : memref<10240x64xf32, #tpu.memory_space<vmem_shared>>)
        tpu.yield
      }) : () -> ()
      %while3A_256 = arith.constant 0 : i32
      scf.yield %while3A_256 : i32
    }
    %while3A_213 = arith.constant 1 : i32
    %while3A_214 = scf.for %while3A_244 = %while3A_210 to %while3A_206 step %while3A_213 iter_args(%while3A_245 = %while3A_212) -> (i32)  : i32 {
      %dma_start3A = arith.constant 0 : i32
      %dma_start3A_246 = tpu.memref_slice %arg12[%while3A_244, %dma_start3A] : memref<80x128xi32, #tpu.memory_space<vmem>> -> memref<1x128xi32, #tpu.memory_space<vmem>>
      %dma_start3A_247 = tpu.memref_squeeze %dma_start3A_246 : memref<1x128xi32, #tpu.memory_space<vmem>> -> memref<128xi32, #tpu.memory_space<vmem>>
      %dma_start3A_248 = arith.constant 0 : i32
      %dma_start3A_249 = arith.constant 0 : i32
      %dma_start3A_250 = tpu.memref_slice %arg2[%dma_start3A_248, %dma_start3A_249] : memref<1000000x64xf32, #tpu.memory_space<hbm>> -> memref<1000000x64xf32, #tpu.memory_space<hbm>>
      tpu.enqueue_indirect_dma source(%dma_start3A_250 : memref<1000000x64xf32, #tpu.memory_space<hbm>>) target(%arg13 : memref<128x64xf32, #tpu.memory_space<vmem>>) offsets(%dma_start3A_247 : memref<128xi32, #tpu.memory_space<vmem>>) semaphore(%arg14 : memref<!tpu.dma_semaphore, #tpu.memory_space<semaphore_mem>>)
      %dma_wait3A = arith.constant 0 : i32
      %dma_wait3A_251 = tpu.memref_slice %arg12[%while3A_244, %dma_wait3A] : memref<80x128xi32, #tpu.memory_space<vmem>> -> memref<1x128xi32, #tpu.memory_space<vmem>>
      %dma_wait3A_252 = tpu.memref_squeeze %dma_wait3A_251 : memref<1x128xi32, #tpu.memory_space<vmem>> -> memref<128xi32, #tpu.memory_space<vmem>>
      %dma_wait3A_253 = arith.constant 0 : i32
      %dma_wait3A_254 = arith.constant 0 : i32
      %dma_wait3A_255 = tpu.memref_slice %arg2[%dma_wait3A_253, %dma_wait3A_254] : memref<1000000x64xf32, #tpu.memory_space<hbm>> -> memref<1000000x64xf32, #tpu.memory_space<hbm>>
      tpu.wait_indirect_dma semaphore(%arg14 : memref<!tpu.dma_semaphore, #tpu.memory_space<semaphore_mem>>) src(%dma_wait3A_255 : memref<1000000x64xf32, #tpu.memory_space<hbm>>) dst(%arg13 : memref<128x64xf32, #tpu.memory_space<vmem>>)
      "tpu.region"() ({
        %run_scoped3A = tpu.sem_alloc : memref<!tpu.dma_semaphore, #tpu.memory_space<semaphore_mem>>
        %dma_start3A_257 = arith.constant 0 : i32
        %dma_start3A_258 = tpu.memref_slice %arg11[%while3A_244, %dma_start3A_257] : memref<80x128xi32, #tpu.memory_space<vmem>> -> memref<1x128xi32, #tpu.memory_space<vmem>>
        %dma_start3A_259 = tpu.memref_squeeze %dma_start3A_258 : memref<1x128xi32, #tpu.memory_space<vmem>> -> memref<128xi32, #tpu.memory_space<vmem>>
        %dma_start3A_260 = arith.constant 0 : i32
        %dma_start3A_261 = arith.constant 0 : i32
        %dma_start3A_262 = tpu.memref_slice %arg15[%dma_start3A_260, %dma_start3A_261] : memref<10240x64xf32, #tpu.memory_space<vmem_shared>> -> memref<10240x64xf32, #tpu.memory_space<vmem_shared>>
        tpu.enqueue_indirect_dma source(%arg13 : memref<128x64xf32, #tpu.memory_space<vmem>>) target(%dma_start3A_262 : memref<10240x64xf32, #tpu.memory_space<vmem_shared>>) offsets(%dma_start3A_259 : memref<128xi32, #tpu.memory_space<vmem>>) semaphore(%run_scoped3A : memref<!tpu.dma_semaphore, #tpu.memory_space<semaphore_mem>>) {add = true}
        %dma_wait3A_263 = arith.constant 0 : i32
        %dma_wait3A_264 = tpu.memref_slice %arg11[%while3A_244, %dma_wait3A_263] : memref<80x128xi32, #tpu.memory_space<vmem>> -> memref<1x128xi32, #tpu.memory_space<vmem>>
        %dma_wait3A_265 = tpu.memref_squeeze %dma_wait3A_264 : memref<1x128xi32, #tpu.memory_space<vmem>> -> memref<128xi32, #tpu.memory_space<vmem>>
        %dma_wait3A_266 = arith.constant 0 : i32
        %dma_wait3A_267 = arith.constant 0 : i32
        %dma_wait3A_268 = tpu.memref_slice %arg15[%dma_wait3A_266, %dma_wait3A_267] : memref<10240x64xf32, #tpu.memory_space<vmem_shared>> -> memref<10240x64xf32, #tpu.memory_space<vmem_shared>>
        tpu.wait_indirect_dma semaphore(%run_scoped3A : memref<!tpu.dma_semaphore, #tpu.memory_space<semaphore_mem>>) src(%arg13 : memref<128x64xf32, #tpu.memory_space<vmem>>) dst(%dma_wait3A_268 : memref<10240x64xf32, #tpu.memory_space<vmem_shared>>)
        tpu.yield
      }) : () -> ()
      %while3A_256 = arith.constant 0 : i32
      scf.yield %while3A_256 : i32
    }
    %barrier3A_215 = arith.constant 0 : index
    tpu.barrier barrier_id(%barrier3A_215)
    %while3A_216 = arith.constant 0 : i32
    %while3A_217 = arith.constant 4 : i32
    %while3A_218 = arith.constant 0 : i32
    %while3A_219 = arith.subi %while3A_217, %while3A_216 : i32
    %while3A_220 = arith.addi %while3A_216, %while3A_219 : i32
    %while3A_221 = arith.constant 1 : i32
    %while3A_222 = arith.divsi %while3A_219, %while3A_221 : i32
    %while3A_223 = arith.muli %while3A_222, %while3A_221 : i32
    %while3A_224 = arith.addi %while3A_216, %while3A_223 : i32
    %while3A_225 = arith.constant 1 : i32
    %while3A_226 = scf.for %while3A_244 = %while3A_216 to %while3A_224 step %while3A_225 iter_args(%while3A_245 = %while3A_218) -> (i32)  : i32 {
      %mul3A_246 = arith.constant 512 : i32
      %mul3A_247 = arith.muli %arg1, %mul3A_246 : i32
      %mul3A_248 = arith.constant 128 : i32
      %mul3A_249 = arith.muli %while3A_244, %mul3A_248 : i32
      %add3A_250 = arith.addi %mul3A_247, %mul3A_249 : i32
      "tpu.region"() ({
        %run_scoped3A = tpu.sem_alloc : memref<!tpu.dma_semaphore, #tpu.memory_space<semaphore_mem>>
        %dma_start3A = arith.constant 0 : i32
        %dma_start3A_254 = tpu.memref_slice %arg15[%add3A_250, %dma_start3A] : memref<10240x64xf32, #tpu.memory_space<vmem_shared>> -> memref<128x64xf32, #tpu.memory_space<vmem_shared>>
        %dma_start3A_255 = arith.constant 0 : i32
        %dma_start3A_256 = tpu.memref_slice %arg15[%add3A_250, %dma_start3A_255] : memref<10240x64xf32, #tpu.memory_space<vmem_shared>> -> memref<128x64xf32, #tpu.memory_space<vmem_shared>>
        tpu.enqueue_dma source(%dma_start3A_256 : memref<128x64xf32, #tpu.memory_space<vmem_shared>>) target(%arg13 : memref<128x64xf32, #tpu.memory_space<vmem>>) target_semaphore(%run_scoped3A : memref<!tpu.dma_semaphore, #tpu.memory_space<semaphore_mem>>)
        %dma_wait3A = arith.constant 0 : i32
        %dma_wait3A_257 = tpu.memref_slice %arg15[%add3A_250, %dma_wait3A] : memref<10240x64xf32, #tpu.memory_space<vmem_shared>> -> memref<128x64xf32, #tpu.memory_space<vmem_shared>>
        %dma_wait3A_258 = arith.constant 0 : i32
        %dma_wait3A_259 = tpu.memref_slice %arg15[%add3A_250, %dma_wait3A_258] : memref<10240x64xf32, #tpu.memory_space<vmem_shared>> -> memref<128x64xf32, #tpu.memory_space<vmem_shared>>
        tpu.wait_dma2 semaphore(%run_scoped3A : memref<!tpu.dma_semaphore, #tpu.memory_space<semaphore_mem>>) src(%dma_wait3A_259 : memref<128x64xf32, #tpu.memory_space<vmem_shared>>) dst(%arg13 : memref<128x64xf32, #tpu.memory_space<vmem>>)
        tpu.yield
      }) : () -> ()
      %add3A_251 = arith.constant 8192 : i32
      %add3A_252 = arith.addi %add3A_251, %add3A_250 : i32
      "tpu.region"() ({
        %run_scoped3A = tpu.sem_alloc : memref<!tpu.dma_semaphore, #tpu.memory_space<semaphore_mem>>
        %dma_start3A = arith.constant 0 : i32
        %dma_start3A_254 = tpu.memref_slice %arg6[%arg0, %add3A_252, %dma_start3A] : memref<2x16384x64xf32, #tpu.memory_space<hbm>> -> memref<1x128x64xf32, #tpu.memory_space<hbm>>
        %dma_start3A_255 = tpu.memref_squeeze %dma_start3A_254 : memref<1x128x64xf32, #tpu.memory_space<hbm>> -> memref<128x64xf32, #tpu.memory_space<hbm>>
        %dma_start3A_256 = arith.constant 0 : i32
        %dma_start3A_257 = tpu.memref_slice %arg6[%arg0, %add3A_252, %dma_start3A_256] : memref<2x16384x64xf32, #tpu.memory_space<hbm>> -> memref<1x128x64xf32, #tpu.memory_space<hbm>>
        %dma_start3A_258 = tpu.memref_squeeze %dma_start3A_257 : memref<1x128x64xf32, #tpu.memory_space<hbm>> -> memref<128x64xf32, #tpu.memory_space<hbm>>
        tpu.enqueue_dma source(%arg13 : memref<128x64xf32, #tpu.memory_space<vmem>>) target(%dma_start3A_258 : memref<128x64xf32, #tpu.memory_space<hbm>>) target_semaphore(%run_scoped3A : memref<!tpu.dma_semaphore, #tpu.memory_space<semaphore_mem>>)
        %dma_wait3A = arith.constant 0 : i32
        %dma_wait3A_259 = tpu.memref_slice %arg6[%arg0, %add3A_252, %dma_wait3A] : memref<2x16384x64xf32, #tpu.memory_space<hbm>> -> memref<1x128x64xf32, #tpu.memory_space<hbm>>
        %dma_wait3A_260 = tpu.memref_squeeze %dma_wait3A_259 : memref<1x128x64xf32, #tpu.memory_space<hbm>> -> memref<128x64xf32, #tpu.memory_space<hbm>>
        %dma_wait3A_261 = arith.constant 0 : i32
        %dma_wait3A_262 = tpu.memref_slice %arg6[%arg0, %add3A_252, %dma_wait3A_261] : memref<2x16384x64xf32, #tpu.memory_space<hbm>> -> memref<1x128x64xf32, #tpu.memory_space<hbm>>
        %dma_wait3A_263 = tpu.memref_squeeze %dma_wait3A_262 : memref<1x128x64xf32, #tpu.memory_space<hbm>> -> memref<128x64xf32, #tpu.memory_space<hbm>>
        tpu.wait_dma2 semaphore(%run_scoped3A : memref<!tpu.dma_semaphore, #tpu.memory_space<semaphore_mem>>) src(%arg13 : memref<128x64xf32, #tpu.memory_space<vmem>>) dst(%dma_wait3A_263 : memref<128x64xf32, #tpu.memory_space<hbm>>)
        tpu.yield
      }) : () -> ()
      %while3A_253 = arith.constant 0 : i32
      scf.yield %while3A_253 : i32
    }
    %while3A_227 = arith.constant 1 : i32
    %while3A_228 = scf.for %while3A_244 = %while3A_224 to %while3A_220 step %while3A_227 iter_args(%while3A_245 = %while3A_226) -> (i32)  : i32 {
      %mul3A_246 = arith.constant 512 : i32
      %mul3A_247 = arith.muli %arg1, %mul3A_246 : i32
      %mul3A_248 = arith.constant 128 : i32
      %mul3A_249 = arith.muli %while3A_244, %mul3A_248 : i32
      %add3A_250 = arith.addi %mul3A_247, %mul3A_249 : i32
      "tpu.region"() ({
        %run_scoped3A = tpu.sem_alloc : memref<!tpu.dma_semaphore, #tpu.memory_space<semaphore_mem>>
        %dma_start3A = arith.constant 0 : i32
        %dma_start3A_254 = tpu.memref_slice %arg15[%add3A_250, %dma_start3A] : memref<10240x64xf32, #tpu.memory_space<vmem_shared>> -> memref<128x64xf32, #tpu.memory_space<vmem_shared>>
        %dma_start3A_255 = arith.constant 0 : i32
        %dma_start3A_256 = tpu.memref_slice %arg15[%add3A_250, %dma_start3A_255] : memref<10240x64xf32, #tpu.memory_space<vmem_shared>> -> memref<128x64xf32, #tpu.memory_space<vmem_shared>>
        tpu.enqueue_dma source(%dma_start3A_256 : memref<128x64xf32, #tpu.memory_space<vmem_shared>>) target(%arg13 : memref<128x64xf32, #tpu.memory_space<vmem>>) target_semaphore(%run_scoped3A : memref<!tpu.dma_semaphore, #tpu.memory_space<semaphore_mem>>)
        %dma_wait3A = arith.constant 0 : i32
        %dma_wait3A_257 = tpu.memref_slice %arg15[%add3A_250, %dma_wait3A] : memref<10240x64xf32, #tpu.memory_space<vmem_shared>> -> memref<128x64xf32, #tpu.memory_space<vmem_shared>>
        %dma_wait3A_258 = arith.constant 0 : i32
        %dma_wait3A_259 = tpu.memref_slice %arg15[%add3A_250, %dma_wait3A_258] : memref<10240x64xf32, #tpu.memory_space<vmem_shared>> -> memref<128x64xf32, #tpu.memory_space<vmem_shared>>
        tpu.wait_dma2 semaphore(%run_scoped3A : memref<!tpu.dma_semaphore, #tpu.memory_space<semaphore_mem>>) src(%dma_wait3A_259 : memref<128x64xf32, #tpu.memory_space<vmem_shared>>) dst(%arg13 : memref<128x64xf32, #tpu.memory_space<vmem>>)
        tpu.yield
      }) : () -> ()
      %add3A_251 = arith.constant 8192 : i32
      %add3A_252 = arith.addi %add3A_251, %add3A_250 : i32
      "tpu.region"() ({
        %run_scoped3A = tpu.sem_alloc : memref<!tpu.dma_semaphore, #tpu.memory_space<semaphore_mem>>
        %dma_start3A = arith.constant 0 : i32
        %dma_start3A_254 = tpu.memref_slice %arg6[%arg0, %add3A_252, %dma_start3A] : memref<2x16384x64xf32, #tpu.memory_space<hbm>> -> memref<1x128x64xf32, #tpu.memory_space<hbm>>
        %dma_start3A_255 = tpu.memref_squeeze %dma_start3A_254 : memref<1x128x64xf32, #tpu.memory_space<hbm>> -> memref<128x64xf32, #tpu.memory_space<hbm>>
        %dma_start3A_256 = arith.constant 0 : i32
        %dma_start3A_257 = tpu.memref_slice %arg6[%arg0, %add3A_252, %dma_start3A_256] : memref<2x16384x64xf32, #tpu.memory_space<hbm>> -> memref<1x128x64xf32, #tpu.memory_space<hbm>>
        %dma_start3A_258 = tpu.memref_squeeze %dma_start3A_257 : memref<1x128x64xf32, #tpu.memory_space<hbm>> -> memref<128x64xf32, #tpu.memory_space<hbm>>
        tpu.enqueue_dma source(%arg13 : memref<128x64xf32, #tpu.memory_space<vmem>>) target(%dma_start3A_258 : memref<128x64xf32, #tpu.memory_space<hbm>>) target_semaphore(%run_scoped3A : memref<!tpu.dma_semaphore, #tpu.memory_space<semaphore_mem>>)
        %dma_wait3A = arith.constant 0 : i32
        %dma_wait3A_259 = tpu.memref_slice %arg6[%arg0, %add3A_252, %dma_wait3A] : memref<2x16384x64xf32, #tpu.memory_space<hbm>> -> memref<1x128x64xf32, #tpu.memory_space<hbm>>
        %dma_wait3A_260 = tpu.memref_squeeze %dma_wait3A_259 : memref<1x128x64xf32, #tpu.memory_space<hbm>> -> memref<128x64xf32, #tpu.memory_space<hbm>>
        %dma_wait3A_261 = arith.constant 0 : i32
        %dma_wait3A_262 = tpu.memref_slice %arg6[%arg0, %add3A_252, %dma_wait3A_261] : memref<2x16384x64xf32, #tpu.memory_space<hbm>> -> memref<1x128x64xf32, #tpu.memory_space<hbm>>
        %dma_wait3A_263 = tpu.memref_squeeze %dma_wait3A_262 : memref<1x128x64xf32, #tpu.memory_space<hbm>> -> memref<128x64xf32, #tpu.memory_space<hbm>>
        tpu.wait_dma2 semaphore(%run_scoped3A : memref<!tpu.dma_semaphore, #tpu.memory_space<semaphore_mem>>) src(%arg13 : memref<128x64xf32, #tpu.memory_space<vmem>>) dst(%dma_wait3A_263 : memref<128x64xf32, #tpu.memory_space<hbm>>)
        tpu.yield
      }) : () -> ()
      %while3A_253 = arith.constant 0 : i32
      scf.yield %while3A_253 : i32
    }
    %barrier3A_229 = arith.constant 0 : index
    tpu.barrier barrier_id(%barrier3A_229)
    %while3A_230 = arith.constant 4 : i32
    %while3A_231 = arith.constant 0 : i32
    %while3A_232 = arith.constant 512 : i32
    %while3A_233 = arith.constant 0 : i32
    %while3A_234 = arith.subi %while3A_232, %while3A_231 : i32
    %while3A_235 = arith.addi %while3A_231, %while3A_234 : i32
    %while3A_236 = arith.constant 1 : i32
    %while3A_237 = arith.divsi %while3A_234, %while3A_236 : i32
    %while3A_238 = arith.muli %while3A_237, %while3A_236 : i32
    %while3A_239 = arith.addi %while3A_231, %while3A_238 : i32
    %while3A_240 = arith.constant 1 : i32
    %while3A_241 = scf.for %while3A_244 = %while3A_231 to %while3A_239 step %while3A_240 iter_args(%while3A_245 = %while3A_233) -> (i32)  : i32 {
      %div3A = arith.divsi %while3A_244, %while3A_230 : i32
      %rem3A = arith.remsi %while3A_244, %while3A_230 : i32
      %mul3A_246 = arith.constant 16 : i32
      %mul3A_247 = arith.muli %rem3A, %mul3A_246 : i32
      %swap3A = arith.index_cast %div3A : i32 to index
      %swap3A_248 = arith.index_cast %mul3A_247 : i32 to index
      %swap3A_249 = tpu.vector_load %arg13[%swap3A, %swap3A_248] {strides = array<i32>} : memref<128x64xf32, #tpu.memory_space<vmem>>, vector<16xf32>,
      tpu.vector_store %arg13[%swap3A, %swap3A_248], %broadcast_in_dim3A_82 {strides = array<i32>} : memref<128x64xf32, #tpu.memory_space<vmem>>, vector<16xf32>,
      %while3A_250 = arith.constant 0 : i32
      scf.yield %while3A_250 : i32
    }
    %while3A_242 = arith.constant 1 : i32
    %while3A_243 = scf.for %while3A_244 = %while3A_239 to %while3A_235 step %while3A_242 iter_args(%while3A_245 = %while3A_241) -> (i32)  : i32 {
      %div3A = arith.divsi %while3A_244, %while3A_230 : i32
      %rem3A = arith.remsi %while3A_244, %while3A_230 : i32
      %mul3A_246 = arith.constant 16 : i32
      %mul3A_247 = arith.muli %rem3A, %mul3A_246 : i32
      %swap3A = arith.index_cast %div3A : i32 to index
      %swap3A_248 = arith.index_cast %mul3A_247 : i32 to index
      %swap3A_249 = tpu.vector_load %arg13[%swap3A, %swap3A_248] {strides = array<i32>} : memref<128x64xf32, #tpu.memory_space<vmem>>, vector<16xf32>,
      tpu.vector_store %arg13[%swap3A, %swap3A_248], %broadcast_in_dim3A_82 {strides = array<i32>} : memref<128x64xf32, #tpu.memory_space<vmem>>, vector<16xf32>,
      %while3A_250 = arith.constant 0 : i32
      scf.yield %while3A_250 : i32
    }
    return
  }
}

module attributes {stable_mosaic.version = 14 : i64} {
  func.func @_t1_body(%arg0: i32, %arg1: memref<100x4096xbf16, #tpu.memory_space<vmem>>, %arg2: memref<1x32x4xf32, #tpu.memory_space<vmem>>, %arg3: memref<1x100x512xbf16, #tpu.memory_space<vmem>>) attributes {dimension_semantics = [#tpu.dimension_semantics<arbitrary>], iteration_bounds = array<i64: 100>, scalar_prefetch = 0 : i64, scratch_operands = 0 : i64, tpu.core_type = #tpu.core_type<tc>, window_params = [{pipeline_mode = #tpu.pipeline_mode<synchronous>, transform_indices = @transform_0, window_bounds = array<i64: 100, 4096>}, {transform_indices = @transform_1, window_bounds = array<i64: 1, 32, 4>}, {transform_indices = @transform_2, window_bounds = array<i64: 1, 100, 512>}]} {
    %get3A = arith.constant 0 : index
    %get3A_0 = arith.constant 0 : index
    %get3A_1 = arith.constant 0 : index
    %get3A_2 = vector.load %arg2[%get3A, %get3A_0, %get3A_1] : memref<1x32x4xf32, #tpu.memory_space<vmem>>, vector<1x32x4xf32>
    %get3A_3 = vector.shape_cast %get3A_2 : vector<1x32x4xf32> to vector<32x4xf32>
    %iota3A = tpu.iota {dimensions = array<i32: 0>} : vector<4096x32xi32>
    %iota3A_4 = tpu.iota {dimensions = array<i32: 1>} : vector<4096x32xi32>
    %broadcast_in_dim3A = arith.constant 32 : i32
    %broadcast_in_dim3A_5 = vector.broadcast %broadcast_in_dim3A : i32 to vector<4096x32xi32>
    %rem3A = arith.remsi %iota3A, %broadcast_in_dim3A_5 : vector<4096x32xi32>
    %eq3A = arith.cmpi eq, %rem3A, %iota3A_4 : vector<4096x32xi32>
    %jit3A = arith.constant 1.000000e+00 : f32
    %jit3A_6 = arith.constant 0.000000e+00 : f32
    %broadcast_in_dim3A_7 = vector.broadcast %jit3A : f32 to vector<4096x32xf32>
    %broadcast_in_dim3A_8 = vector.broadcast %jit3A_6 : f32 to vector<4096x32xf32>
    %select_n3A = arith.select %eq3A, %broadcast_in_dim3A_7, %broadcast_in_dim3A_8 : vector<4096x32xi1>, vector<4096x32xf32>
    %iota3A_9 = tpu.iota {dimensions = array<i32: 1>} : vector<4x512xi32>
    %iota3A_10 = tpu.iota {dimensions = array<i32: 0>} : vector<4x512xi32>
    %broadcast_in_dim3A_11 = arith.constant 4 : i32
    %broadcast_in_dim3A_12 = vector.broadcast %broadcast_in_dim3A_11 : i32 to vector<4x512xi32>
    %rem3A_13 = arith.remsi %iota3A_9, %broadcast_in_dim3A_12 : vector<4x512xi32>
    %eq3A_14 = arith.cmpi eq, %rem3A_13, %iota3A_10 : vector<4x512xi32>
    %jit3A_15 = arith.constant 1.000000e+00 : f32
    %jit3A_16 = arith.constant 0.000000e+00 : f32
    %broadcast_in_dim3A_17 = vector.broadcast %jit3A_15 : f32 to vector<4x512xf32>
    %broadcast_in_dim3A_18 = vector.broadcast %jit3A_16 : f32 to vector<4x512xf32>
    %select_n3A_19 = arith.select %eq3A_14, %broadcast_in_dim3A_17, %broadcast_in_dim3A_18 : vector<4x512xi1>, vector<4x512xf32>
    %dot_general3A = arith.constant dense<0.000000e+00> : vector<4096x4xf32>
    %dot_general3A_20 = tpu.matmul %select_n3A, %get3A_3, %dot_general3A {dimension_numbers = #tpu.dot_dimension_numbers<[1], [0], [0], [1], [0, 0, 1, 1], [], []>, transpose_lhs_hint = false} : vector<4096x32xf32>, vector<32x4xf32>, vector<4096x4xf32> -> vector<4096x4xf32>
    %dot_general3A_21 = arith.constant dense<0.000000e+00> : vector<4096x512xf32>
    %dot_general3A_22 = tpu.matmul %dot_general3A_20, %select_n3A_19, %dot_general3A_21 {dimension_numbers = #tpu.dot_dimension_numbers<[1], [0], [0], [1], [0, 0, 1, 1], [], []>, transpose_lhs_hint = false} : vector<4096x4xf32>, vector<4x512xf32>, vector<4096x512xf32> -> vector<4096x512xf32>
    %iota3A_23 = tpu.iota {dimensions = array<i32: 0>} : vector<4096x512xi32>
    %iota3A_24 = tpu.iota {dimensions = array<i32: 1>} : vector<4096x512xi32>
    %broadcast_in_dim3A_25 = arith.constant 32 : i32
    %broadcast_in_dim3A_26 = vector.broadcast %broadcast_in_dim3A_25 : i32 to vector<4096x512xi32>
    %div3A = arith.divsi %iota3A_23, %broadcast_in_dim3A_26 : vector<4096x512xi32>
    %broadcast_in_dim3A_27 = arith.constant 4 : i32
    %broadcast_in_dim3A_28 = vector.broadcast %broadcast_in_dim3A_27 : i32 to vector<4096x512xi32>
    %div3A_29 = arith.divsi %iota3A_24, %broadcast_in_dim3A_28 : vector<4096x512xi32>
    %eq3A_30 = arith.cmpi eq, %div3A, %div3A_29 : vector<4096x512xi32>
    %jit3A_31 = arith.constant 0.000000e+00 : f32
    %broadcast_in_dim3A_32 = vector.broadcast %jit3A_31 : f32 to vector<4096x512xf32>
    %select_n3A_33 = arith.select %eq3A_30, %dot_general3A_22, %broadcast_in_dim3A_32 : vector<4096x512xi1>, vector<4096x512xf32>
    %convert_element_type3A = arith.truncf %select_n3A_33 : vector<4096x512xf32> to vector<4096x512xbf16>
    %get3A_34 = arith.constant 0 : index
    %get3A_35 = arith.constant 0 : index
    %get3A_36 = vector.load %arg1[%get3A_34, %get3A_35] : memref<100x4096xbf16, #tpu.memory_space<vmem>>, vector<100x4096xbf16>
    %dot_general3A_37 = arith.constant dense<0.000000e+00> : vector<100x512xf32>
    %dot_general3A_38 = tpu.matmul %get3A_36, %convert_element_type3A, %dot_general3A_37 {dimension_numbers = #tpu.dot_dimension_numbers<[1], [0], [0], [1], [0, 0, 1, 1], [], []>, transpose_lhs_hint = false} : vector<100x4096xbf16>, vector<4096x512xbf16>, vector<100x512xf32> -> vector<100x512xf32>
    %convert_element_type3A_39 = arith.truncf %dot_general3A_38 : vector<100x512xf32> to vector<100x512xbf16>
    %swap3A = arith.constant 0 : index
    %swap3A_40 = arith.constant 0 : index
    %swap3A_41 = arith.constant 0 : index
    %swap3A_42 = vector.load %arg3[%swap3A, %swap3A_40, %swap3A_41] : memref<1x100x512xbf16, #tpu.memory_space<vmem>>, vector<1x100x512xbf16>
    %swap3A_43 = vector.shape_cast %swap3A_42 : vector<1x100x512xbf16> to vector<100x512xbf16>
    %swap3A_44 = vector.shape_cast %convert_element_type3A_39 : vector<100x512xbf16> to vector<1x100x512xbf16>
    tpu.vector_store %arg3[%swap3A, %swap3A_40, %swap3A_41], %swap3A_44 {strides = array<i32>} : memref<1x100x512xbf16, #tpu.memory_space<vmem>>, vector<1x100x512xbf16>,
    return
  }
  func.func @transform_0(%arg0: i32) -> (i32, i32) {
    %c0_i32 = arith.constant 0 : i32
    %c0_i32_0 = arith.constant 0 : i32
    %c0_i32_1 = arith.constant 0 : i32
    return %c0_i32, %c0_i32_0 : i32, i32
  }
  func.func @transform_1(%arg0: i32) -> (i32, i32, i32) {
    %c0_i32 = arith.constant 0 : i32
    %c0_i32_0 = arith.constant 0 : i32
    %c0_i32_1 = arith.constant 0 : i32
    return %arg0, %c0_i32, %c0_i32_0 : i32, i32, i32
  }
  func.func @transform_2(%arg0: i32) -> (i32, i32, i32) {
    %c0_i32 = arith.constant 0 : i32
    %c0_i32_0 = arith.constant 0 : i32
    %c0_i32_1 = arith.constant 0 : i32
    return %arg0, %c0_i32, %c0_i32_0 : i32, i32, i32
  }
}

module attributes {stable_mosaic.version = 14 : i64} {
  func.func @_t2_body(%arg0: i32, %arg1: memref<10000x512xbf16, #tpu.memory_space<vmem>>, %arg2: memref<1x32x4xf32, #tpu.memory_space<vmem>>, %arg3: memref<10000x64xf32, #tpu.memory_space<vmem>>) attributes {dimension_semantics = [#tpu.dimension_semantics<arbitrary>], iteration_bounds = array<i64: 100>, scalar_prefetch = 0 : i64, scratch_operands = 0 : i64, tpu.core_type = #tpu.core_type<tc>, window_params = [{pipeline_mode = #tpu.pipeline_mode<synchronous>, transform_indices = @transform_0, window_bounds = array<i64: 10000, 512>}, {transform_indices = @transform_1, window_bounds = array<i64: 1, 32, 4>}, {transform_indices = @transform_2, window_bounds = array<i64: 10000, 64>}]} {
    %get3A = arith.constant 0 : index
    %get3A_0 = arith.constant 0 : index
    %get3A_1 = arith.constant 0 : index
    %get3A_2 = vector.load %arg2[%get3A, %get3A_0, %get3A_1] : memref<1x32x4xf32, #tpu.memory_space<vmem>>, vector<1x32x4xf32>
    %get3A_3 = vector.shape_cast %get3A_2 : vector<1x32x4xf32> to vector<32x4xf32>
    %iota3A = tpu.iota {dimensions = array<i32: 0>} : vector<512x32xi32>
    %iota3A_4 = tpu.iota {dimensions = array<i32: 1>} : vector<512x32xi32>
    %broadcast_in_dim3A = arith.constant 16 : i32
    %broadcast_in_dim3A_5 = vector.broadcast %broadcast_in_dim3A : i32 to vector<512x32xi32>
    %div3A = arith.divsi %iota3A, %broadcast_in_dim3A_5 : vector<512x32xi32>
    %eq3A = arith.cmpi eq, %div3A, %iota3A_4 : vector<512x32xi32>
    %jit3A = arith.constant 1.000000e+00 : f32
    %jit3A_6 = arith.constant 0.000000e+00 : f32
    %broadcast_in_dim3A_7 = vector.broadcast %jit3A : f32 to vector<512x32xf32>
    %broadcast_in_dim3A_8 = vector.broadcast %jit3A_6 : f32 to vector<512x32xf32>
    %select_n3A = arith.select %eq3A, %broadcast_in_dim3A_7, %broadcast_in_dim3A_8 : vector<512x32xi1>, vector<512x32xf32>
    %iota3A_9 = tpu.iota {dimensions = array<i32: 1>} : vector<4x64xi32>
    %iota3A_10 = tpu.iota {dimensions = array<i32: 0>} : vector<4x64xi32>
    %broadcast_in_dim3A_11 = arith.constant 16 : i32
    %broadcast_in_dim3A_12 = vector.broadcast %broadcast_in_dim3A_11 : i32 to vector<4x64xi32>
    %div3A_13 = arith.divsi %iota3A_9, %broadcast_in_dim3A_12 : vector<4x64xi32>
    %eq3A_14 = arith.cmpi eq, %div3A_13, %iota3A_10 : vector<4x64xi32>
    %jit3A_15 = arith.constant 1.000000e+00 : f32
    %jit3A_16 = arith.constant 0.000000e+00 : f32
    %broadcast_in_dim3A_17 = vector.broadcast %jit3A_15 : f32 to vector<4x64xf32>
    %broadcast_in_dim3A_18 = vector.broadcast %jit3A_16 : f32 to vector<4x64xf32>
    %select_n3A_19 = arith.select %eq3A_14, %broadcast_in_dim3A_17, %broadcast_in_dim3A_18 : vector<4x64xi1>, vector<4x64xf32>
    %dot_general3A = arith.constant dense<0.000000e+00> : vector<512x4xf32>
    %dot_general3A_20 = tpu.matmul %select_n3A, %get3A_3, %dot_general3A {dimension_numbers = #tpu.dot_dimension_numbers<[1], [0], [0], [1], [0, 0, 1, 1], [], []>, transpose_lhs_hint = false} : vector<512x32xf32>, vector<32x4xf32>, vector<512x4xf32> -> vector<512x4xf32>
    %dot_general3A_21 = arith.constant dense<0.000000e+00> : vector<512x64xf32>
    %dot_general3A_22 = tpu.matmul %dot_general3A_20, %select_n3A_19, %dot_general3A_21 {dimension_numbers = #tpu.dot_dimension_numbers<[1], [0], [0], [1], [0, 0, 1, 1], [], []>, transpose_lhs_hint = false} : vector<512x4xf32>, vector<4x64xf32>, vector<512x64xf32> -> vector<512x64xf32>
    %iota3A_23 = tpu.iota {dimensions = array<i32: 0>} : vector<512x64xi32>
    %iota3A_24 = tpu.iota {dimensions = array<i32: 1>} : vector<512x64xi32>
    %broadcast_in_dim3A_25 = arith.constant 16 : i32
    %broadcast_in_dim3A_26 = vector.broadcast %broadcast_in_dim3A_25 : i32 to vector<512x64xi32>
    %rem3A = arith.remsi %iota3A_23, %broadcast_in_dim3A_26 : vector<512x64xi32>
    %broadcast_in_dim3A_27 = arith.constant 16 : i32
    %broadcast_in_dim3A_28 = vector.broadcast %broadcast_in_dim3A_27 : i32 to vector<512x64xi32>
    %rem3A_29 = arith.remsi %iota3A_24, %broadcast_in_dim3A_28 : vector<512x64xi32>
    %eq3A_30 = arith.cmpi eq, %rem3A, %rem3A_29 : vector<512x64xi32>
    %jit3A_31 = arith.constant 0.000000e+00 : f32
    %broadcast_in_dim3A_32 = vector.broadcast %jit3A_31 : f32 to vector<512x64xf32>
    %select_n3A_33 = arith.select %eq3A_30, %dot_general3A_22, %broadcast_in_dim3A_32 : vector<512x64xi1>, vector<512x64xf32>
    %convert_element_type3A = arith.truncf %select_n3A_33 : vector<512x64xf32> to vector<512x64xbf16>
    %get3A_34 = arith.constant 0 : index
    %get3A_35 = arith.constant 0 : index
    %get3A_36 = vector.load %arg1[%get3A_34, %get3A_35] : memref<10000x512xbf16, #tpu.memory_space<vmem>>, vector<10000x512xbf16>
    %dot_general3A_37 = arith.constant dense<0.000000e+00> : vector<10000x64xf32>
    %dot_general3A_38 = tpu.matmul %get3A_36, %convert_element_type3A, %dot_general3A_37 {dimension_numbers = #tpu.dot_dimension_numbers<[1], [0], [0], [1], [0, 0, 1, 1], [], []>, transpose_lhs_hint = false} : vector<10000x512xbf16>, vector<512x64xbf16>, vector<10000x64xf32> -> vector<10000x64xf32>
    %swap3A = arith.constant 0 : index
    %swap3A_39 = arith.constant 0 : index
    %swap3A_40 = vector.load %arg3[%swap3A, %swap3A_39] : memref<10000x64xf32, #tpu.memory_space<vmem>>, vector<10000x64xf32>
    tpu.vector_store %arg3[%swap3A, %swap3A_39], %dot_general3A_38 {strides = array<i32>} : memref<10000x64xf32, #tpu.memory_space<vmem>>, vector<10000x64xf32>,
    return
  }
  func.func @transform_0(%arg0: i32) -> (i32, i32) {
    %c0_i32 = arith.constant 0 : i32
    %c0_i32_0 = arith.constant 0 : i32
    %c0_i32_1 = arith.constant 0 : i32
    return %c0_i32, %c0_i32_0 : i32, i32
  }
  func.func @transform_1(%arg0: i32) -> (i32, i32, i32) {
    %c0_i32 = arith.constant 0 : i32
    %c0_i32_0 = arith.constant 0 : i32
    %c0_i32_1 = arith.constant 0 : i32
    return %arg0, %c0_i32, %c0_i32_0 : i32, i32, i32
  }
  func.func @transform_2(%arg0: i32) -> (i32, i32) {
    %c0_i32 = arith.constant 0 : i32
    %c0_i32_0 = arith.constant 0 : i32
    return %arg0, %c0_i32 : i32, i32
  }
}

module attributes {stable_mosaic.version = 14 : i64} {
  func.func @_t3_body(%arg0: memref<2x16384x64xf32, #tpu.memory_space<vmem>>, %arg1: memref<16384x64xf32, #tpu.memory_space<vmem>>) attributes {dimension_semantics = [], scalar_prefetch = 0 : i64, scratch_operands = 0 : i64, tpu.core_type = #tpu.core_type<tc>} {
    %get3A = arith.constant 0 : index
    %get3A_0 = arith.constant 0 : index
    %get3A_1 = arith.constant 0 : index
    %get3A_2 = vector.load %arg0[%get3A, %get3A_0, %get3A_1] : memref<2x16384x64xf32, #tpu.memory_space<vmem>>, vector<1x16384x64xf32>
    %get3A_3 = vector.shape_cast %get3A_2 : vector<1x16384x64xf32> to vector<16384x64xf32>
    %get3A_4 = arith.constant 1 : index
    %get3A_5 = arith.constant 0 : index
    %get3A_6 = arith.constant 0 : index
    %get3A_7 = vector.load %arg0[%get3A_4, %get3A_5, %get3A_6] : memref<2x16384x64xf32, #tpu.memory_space<vmem>>, vector<1x16384x64xf32>
    %get3A_8 = vector.shape_cast %get3A_7 : vector<1x16384x64xf32> to vector<16384x64xf32>
    %add3A = arith.addf %get3A_3, %get3A_8 : vector<16384x64xf32>
    %swap3A = arith.constant 0 : index
    %swap3A_9 = arith.constant 0 : index
    %swap3A_10 = vector.load %arg1[%swap3A, %swap3A_9] : memref<16384x64xf32, #tpu.memory_space<vmem>>, vector<16384x64xf32>
    tpu.vector_store %arg1[%swap3A, %swap3A_9], %add3A {strides = array<i32>} : memref<16384x64xf32, #tpu.memory_space<vmem>>, vector<16384x64xf32>,
    return
  }
}

</mosaic_0001>

<sc_bundles>
// kernel: kernel.6.cloned.1.call-start
scs
__scs_entry_jumppad:
0x0: {  	(pc) =	sbr.rel $0x88, $3  }
0x1: {  	(tag) =	ssettag $0x0;
	lr =	simm.s32 $0x1  }
0x2: {  	[smem:$0x3F9C] =	sst lr;
	_ =	strace $0xD0000000  }
0x3: {  	_ = 	snop  }
0x4: {  	_ = 	snop  }
0x5: {  	_ = 	snop  }
0x6: {  	_ = 	snop  }
0x7: {  	_ = 	snop  }
__scs_overlays_trampoline_lowered:
0x8: {  	[smem:$0x3FAB] =	sst s0  }
0x9: {  	[smem:$0x3FAC] =	sst s1  }
0xa: {  	[smem:$0x3FAD] =	sst s2  }
0xb: {  	[smem:$0x3FAE] =	sst s3  }
0xc: {  	[smem:$0x3FAF] =	sst s4  }
0xd: {  	[smem:$0x3FB0] =	sst s5  }
0xe: {  	[smem:$0x3FB1] =	sst s6  }
0xf: {  	[smem:$0x3FB2] =	sst s7  }
0x10: {  	[smem:$0x3FB3] =	sst s8  }
0x11: {  	[smem:$0x3FB4] =	sst s9;
	s0 =	simm.s32 @!p0 $0x0  }
0x12: {  	s1 =	sld [smem:$0x3F9A];
	s0 =	simm.s32 @p0 $0x1  }
0x13: {  	[smem:$0x3FB5] =	sst s0;
	s0 =	simm.s32 @!p1 $0x0  }
0x14: {  	s2 =	sld [smem:$0x3F99];
	s0 =	simm.s32 @p1 $0x1  }
0x15: {  	[smem:$0x3FB6] =	sst s0;
	s0 =	simm.s32 @!p2 $0x0  }
0x16: {  	s3 =	sld [smem:$0x3FDB];
	s0 =	simm.s32 @p2 $0x1  }
0x17: {  	s4 =	simm.s32 $0x1BF5;
	[smem:$0x3FB8] =	sst s0  }
0x18: {  	s0 =	sld [smem:$0x3F9B];
	_ =	swait.ge [sflag:s4], $0x0  }
0x19: {  	s7 =	sld [smem:$0x3F9C]  }
0x1a: {  	s8 =	sadd.s32 $0xFFFFE003, lr  }
0x1b: {  	s9 =	sadd.s32 $0xFFFFFEF7, lr;
	s5 =	simm.s32 $0xFFFFFFFF;
	p2 =	slt.u32 s8, $0xFFFFF086  }
0x1c: {  	p1 =	slt.u32 s9, $0xF7A;
	s5 =	simm.s32 @!p2 $0x0  }
0x1d: {  	s5 =	simm.s32 @p1 $0x1;
	p0 =	seq.s32 s7, s2  }
0x1e: {  	s7 =	smul.u32 @!p0 $0xF7A, s2;
	p2 =	seq.s32 @!p0 s5, $0x0  }
0x1f: {  	s9 =	smul.u32 $0xF7A, s1;
	s8 =	simm.s32 @!p0 $0x1BF5;
	p2 =	por !p2, p0  }
0x20: {  	[sflag:s8] =	ssyncset.s32 @!p0 $0xFFFFF086;
	s6 =	sadd.s32 @!p0 s3, s7;
	s7 =	simm.s32 @!p0 $0x108  }
0x21: {  	s3 =	sadd.s32 s3, s9;
	s6 =	sadd.s32 @!p0 $0x88, s6;
	s7 =	simm.s32 @p2 $0x1082  }
0x22: {  	[simem:s7], [sflag:s8] =	dma.local @!p0 [hbm:s6], $0xF7A  }
0x23: {  	s9 =	sor.u32 $0xD0000000, s2;
	s6 =	simm.s32 $0x108;
	_ =	swait.ge @!p0 [sflag:s8], $0x0  }
0x24: {  	s3 =	sadd.s32 $0x88, s3;
	s6 =	simm.s32 @!p1 $0x1082;
	[sflag:s4] =	ssyncset.s32 $0xFFFFF086  }
0x25: {  	[simem:s6], [sflag:s4] =	dma.local [hbm:s3], $0xF7A  }
0x26: {  	[smem:$0x3F9C] =	sst s1;
	(tag) =	ssettag s2;
	_ =	strace s9  }
0x27: {  	s1 =	sld [smem:$0x3FAC]  }
0x28: {  	s2 =	sld [smem:$0x3FAD]  }
0x29: {  	s4 =	sld [smem:$0x3FAF]  }
0x2a: {  	p0 =	seq.s32 s5, $0x0;
	s5 =	sld [smem:$0x3FB0]  }
0x2b: {  	s6 =	sld [smem:$0x3FB1]  }
0x2c: {  	s7 =	sld [smem:$0x3FB2]  }
0x2d: {  	s3 =	simm.s32 $0x108;
	s8 =	sld [smem:$0x3FB3]  }
0x2e: {  	s3 =	simm.s32 @!p0 $0x1082;
	s9 =	sld [smem:$0x3FB4]  }
0x2f: {  	lr =	sadd.s32 s0, s3;
	s0 =	sld [smem:$0x3FAB]  }
0x30: {  	s3 =	sld [smem:$0x3FAE]  }
0x31: {  	[smem:$0x3FB7] =	sst s10  }
0x32: {  	s10 =	sld [smem:$0x3FB5];
	_ =	sdelay $0x3  }
0x33: {  	p0 =	seq.s32 s10, $0x1;
	s10 =	sld [smem:$0x3FB7];
	_ =	sdelay $0x3  }
0x34: {  	[smem:$0x3FB7] =	sst s10  }
0x35: {  	s10 =	sld [smem:$0x3FB6];
	_ =	sdelay $0x3  }
0x36: {  	p1 =	seq.s32 s10, $0x1;
	s10 =	sld [smem:$0x3FB7];
	_ =	sdelay $0x3  }
0x37: {  	[smem:$0x3FB7] =	sst s10  }
0x38: {  	s10 =	sld [smem:$0x3FB8]  }
0x39: {  	_ = 	snop;
	(pc) =	sbr.ind lr, $3  }
0x3a: {  	_ = 	snop  }
0x3b: {  	_ = 	snop  }
0x3c: {  	p2 =	seq.s32 s10, $0x1;
	s10 =	sld [smem:$0x3FB7]  }
0x3d: {  	_ =	shalt  }
0x3e: {  	_ =	shalt  }
0x3f: {  	_ =	shalt  }
0x40: {  	_ =	shalt  }
0x41: {  	_ =	shalt  }
0x42: {  	_ =	shalt  }
0x43: {  	_ =	shalt  }
0x44: {  	_ =	shalt  }
0x45: {  	_ =	shalt  }
0x46: {  	_ =	shalt  }
0x47: {  	_ =	shalt  }
0x48: {  	_ =	shalt  }
0x49: {  	_ =	shalt  }
0x4a: {  	_ =	shalt  }
0x4b: {  	_ =	shalt  }
0x4c: {  	_ =	shalt  }
0x4d: {  	_ =	shalt  }
0x4e: {  	_ =	shalt  }
0x4f: {  	_ =	shalt  }
0x50: {  	_ =	shalt  }
0x51: {  	_ =	shalt  }
0x52: {  	_ =	shalt  }
0x53: {  	_ =	shalt  }
0x54: {  	_ =	shalt  }
0x55: {  	_ =	shalt  }
0x56: {  	_ =	shalt  }
0x57: {  	_ =	shalt  }
0x58: {  	_ =	shalt  }
0x59: {  	_ =	shalt  }
0x5a: {  	_ =	shalt  }
0x5b: {  	_ =	shalt  }
0x5c: {  	_ =	shalt  }
0x5d: {  	_ =	shalt  }
0x5e: {  	_ =	shalt  }
0x5f: {  	_ =	shalt  }
0x60: {  	_ =	shalt  }
0x61: {  	_ =	shalt  }
0x62: {  	_ =	shalt  }
0x63: {  	_ =	shalt  }
0x64: {  	_ =	shalt  }
0x65: {  	_ =	shalt  }
0x66: {  	_ =	shalt  }
0x67: {  	_ =	shalt  }
0x68: {  	_ =	shalt  }
0x69: {  	_ =	shalt  }
0x6a: {  	_ =	shalt  }
0x6b: {  	_ =	shalt  }
0x6c: {  	_ =	shalt  }
0x6d: {  	_ =	shalt  }
0x6e: {  	_ =	shalt  }
0x6f: {  	_ =	shalt  }
0x70: {  	_ =	shalt  }
0x71: {  	_ =	shalt  }
0x72: {  	_ =	shalt  }
0x73: {  	_ =	shalt  }
0x74: {  	_ =	shalt  }
0x75: {  	_ =	shalt  }
0x76: {  	_ =	shalt  }
0x77: {  	_ =	shalt  }
0x78: {  	_ =	shalt  }
0x79: {  	_ =	shalt  }
0x7a: {  	_ =	shalt  }
0x7b: {  	_ =	shalt  }
0x7c: {  	_ =	shalt  }
0x7d: {  	_ =	shalt  }
0x7e: {  	_ =	shalt  }
0x7f: {  	_ =	shalt  }
0x80: {  	_ =	shalt  }
0x81: {  	_ =	shalt  }
0x82: {  	_ =	shalt  }
0x83: {  	_ =	shalt  }
0x84: {  	_ =	shalt  }
0x85: {  	_ =	shalt  }
0x86: {  	_ =	shalt  }
0x87: {  	_ =	shalt  }
.Lfunc_end0:
.L_simem_size_0:
called_computation_lowered:
.L_overlay_start_0:
0x88: {  	s2 =	sld [smem:$0x3FD9]  }
0x89: {  	s3 =	sld [smem:$0x3FFE];
	_ =	sdelay $0x1  }
0x8a: {  	s1 =	srdreg.scid  }
0x8b: {  	s0 =	sand.u32 $0x1, s1  }
0x8c: {  	s17 =	sshll.u32 s0, $0xA;
	s2 =	sadd.s32 s3, s2  }
0x8d: {  	s2 =	sadd.s32 s2, s17  }
0x8e: {  	[smem:$0x3FC3] =	sst s2  }
0x8f: {  	_ = 	snop  }
0x90: {  	s2 =	sld [smem:$0x3FD0];
	(tm) =	ssettm $0x1  }
0x91: {  	s18 =	sld [smem:$0x3FFB];
	_ =	sdelay $0x3  }
0x92: {  	_ =	strace s18  }
0x93: {  	s3 =	sld [smem:$0x3FFC];
	_ =	sdelay $0x3  }
0x94: {  	_ =	strace s3  }
0x95: {  	s3 =	sld [smem:$0x3FFD];
	_ =	sdelay $0x3  }
0x96: {  	_ =	strace s3  }
0x97: {  	_ =	strace $0x8FFFFFFF  }
0x98: {  	s19 =	sld [smem:$0x3FDB];
	_ =	sdelay $0x1  }
0x99: {  	s4 =	simm.s32 $_scs_section_size  }
0x9a: {  	s5 =	simm.s32 $_size__tile_overlayer_lowered;
	s6 =	simm.s32 $_tile_overlayer_lowered  }
0x9b: {  	s22 =	simm.s32 $0x1BFF;
	s21 =	sshll.u32 s6, $0x1;
	s3 =	sadd.s32 s4, s19  }
0x9c: {  	s7 =	simm.s32 $0x0;
	s20 =	sshll.u32 s5, $0x1;
	s5 =	sadd.s32 s21, s3  }
0x9d: {  	[timem:s7], [sflag:s22] =	dma.local [hbm:s5], s20  }
0x9e: {  	_ =	swait.ge [sflag:s22], s20  }
0x9f: {  	s4 =	ssub.s32 $0x0, s20;
	[sflag:s22] =	ssyncset.done $0x0  }
0xa0: {  	[sflag:s22] =	ssyncadd.s32 s4;
	_ =	sdelay $0x1  }
0xa1: {  	s23 =	simm.s32 $0x1B8B  }
0xa2: {  	_ =	swait.ge [sflag:s23], $0x1  }
0xa3: {  	[sflag:s23] =	ssyncset.done $0x0  }
0xa4: {  	s25 =	simm.s32 $0x1B8E;
	s24 =	sld [smem:$0x3FFE];
	[sflag:s23] =	ssyncadd.s32 $0xFFFFFFFF  }
0xa5: {  	s26 =	simm.s32 $execute0_lowered;
	[smem:$0x3FD2] =	sst s25  }
0xa6: {  	s5 =	sshll.u32 s26, $0x1;
	_ =	strace $0x80000046;
	[dreg:$0x1] =	wrdreg $0xFFFFFFFF  }
0xa7: {  	s28 =	simm.s32 $_size_execute0_lowered;
	s3 =	sadd.s32 s3, s5;
	[dreg:$0x0] =	wrdreg $0x0  }
0xa8: {  	s5 =	sshll.u32 s28, $0x1;
	[dreg:$0x2] =	wrdreg s3  }
0xa9: {  	[dreg:$0x3] =	wrdreg s5  }
0xaa: {  	[dreg:$0x4] =	wrdreg $0xC0  }
0xab: {  	_ =	task [dreg:s7], $0x5FFFF  }
0xac: {  	[dreg:$0x1] =	wrdreg $0xFFFFFFFF  }
0xad: {  	[dreg:$0x0] =	wrdreg $0x60  }
0xae: {  	[dreg:$0x2] =	wrdreg s24  }
0xaf: {  	[dreg:$0x3] =	wrdreg s2  }
0xb0: {  	[dreg:$0x4] =	wrdreg $0x140000  }
0xb1: {  	[dreg:$0x5] =	wrdreg $0x9  }
0xb2: {  	_ =	task.clear_ibuf [dreg:s7], $0x6FFFF;
	_ =	strace $0x90000046  }
0xb3: {  	s29 =	simm.s32 $0x9;
	_ =	strace $0x80000048  }
0xb4: {  	_ =	swait.ge [sflag:s29], $0x1  }
0xb5: {  	[sflag:s29] =	ssyncadd.s32 $0xFFFFFFFF  }
0xb6: {  	_ =	strace $0x90000048  }
0xb7: {  	_ =	sfence  }
0xb8: {  	s30 =	sld [smem:$0x0];
	_ =	sdelay $0x2  }
0xb9: {  	s31 =	sshll.u32 s1, $0xD;
	s1 =	sshrl.u32 s1, $0x2  }
0xba: {  	s3 =	sand.u32 $0x4000, s31;
	s1 =	sadd.s32 s1, s30  }
0xbb: {  	s0 =	sor.u32 s3, s0;
	s1 =	sshll.u32 s1, $0x11  }
0xbc: {  	s0 =	sor.u32 s1, s0  }
0xbd: {  	s0 =	sadd.s32 $0x8F2B, s0  }
0xbe: {  	[sflag:s0] =	ssyncadd.remote.s32 $0x1  }
0xbf: {  	_ =	sfence.sel $0xFFFF  }
0xc0: {  	[dreg:$0x0] =	wrdreg $0xFFFFFFFF;
	(pc) =	sbr.abs _section_cstart, $3  }
0xc1: {  	[dreg:$0x1] =	wrdreg $0xFFFFFFFF  }
0xc2: {  	_ =	task.clear_ibuf [dreg:s7], $0x2FFFF;
	_ =	strace $0x9FFFFFFF  }
0xc3: {  	(tm) =	ssettm $0x7FFFFFFF  }
tec
execute0_lowered:
.L_overlay_start_1:
0x0: {  	(tag) =	ssettag $0x1  }
0x1: {  	s0 =	rddreg [dreg:$0x0]  }
0x2: {  	s1 =	rddreg [dreg:$0x1]  }
0x3: {  	s2 =	rddreg [dreg:$0x2]  }
0x4: {  	s5 =	simm.s32 $0x0;
	s4 =	srdreg.scid;
	s3 =	stileid.u32  }
0x5: {  	[smem:$0x7FF] =	sst s5;
	s14 =	sand.u32 $0x1, s4;
	s15 =	sshll.u32 s3, $0x1  }
0x6: {  	s4 =	sadd.s32 $0xF42C00, s0;
	s7 =	sadd.s32 $0x1000, s0;
	s8 =	smul.u32 $0x28000, s3  }
0x7: {  	s9 =	sadd.s32 $0x800, s0;
	s0 =	sadd.s32 $0x1800, s0;
	s10 =	sshll.u32 s3, $0x9  }
0x8: {  	s24 =	sshll.u32 s3, $0xC;
	_ =	strace $0x80000047;
	[dreg:$0x4] =	wrdreg s7  }
0x9: {  	s6 =	sor.u32 s14, s15;
	s16 =	ssub.s32 $0x2, s14;
	[dreg:$0x5] =	wrdreg s9  }
0xa: {  	s19 =	sshll.u32 s14, $0x11;
	s9 =	sshll.u32 s3, $0xF;
	s5 =	sshll.u32 s14, $0x14  }
0xb: {  	s26 =	sor.u32 $0x80, s10;
	s29 =	sor.u32 $0x100, s10;
	s10 =	sor.u32 $0x180, s10  }
0xc: {  	s6 =	smul.u32 $0x2800, s6;
	s17 =	sshrl.u32 s16, $0x1;
	s8 =	sshrl.u32 s8, $0x2  }
0xd: {  	s11 =	sor.u32 s5, s9;
	s21 =	sor.u32 $0x2000, s9;
	s12 =	sor.u32 $0x4000, s9  }
0xe: {  	s14 =	sor.u32 $0x6000, s9;
	s7 =	ssub.s32 s16, s17;
	s8 =	sadd.s32 s8, s2  }
0xf: {  	s18 =	sshrl.u32 s6, $0x3;
	s7 =	smax.u32 s7, $0x1;
	[dreg:$0x7] =	wrdreg s8  }
0x10: {  	s20 =	sshrl.u32 s11, $0x3;
	s1 =	sadd.s32 s1, s18;
	[dreg:$0x8] =	wrdreg s7  }
0x11: {  	s22 =	sor.u32 s5, s21;
	s7 =	sadd.s32 s0, s20;
	[dreg:$0x6] =	wrdreg s1  }
0x12: {  	s13 =	sor.u32 s5, s12;
	s20 =	sadd.s32 s21, s2;
	[dreg:$0x9] =	wrdreg s7  }
0x13: {  	s5 =	sor.u32 s5, s14;
	s21 =	sadd.s32 s12, s2;
	[dreg:$0x13] =	wrdreg s20  }
0x14: {  	s7 =	sshrl.u32 s22, $0x3;
	[dreg:$0x14] =	wrdreg s21;
	s22 =	sadd.s32 s14, s2  }
0x15: {  	s1 =	sadd.s32 s19, s0;
	s19 =	sadd.s32 $0x2000, s8;
	[dreg:$0x15] =	wrdreg s22  }
0x16: {  	s23 =	sshrl.u32 s13, $0x3;
	s7 =	sadd.s32 s0, s7;
	[dreg:$0x11] =	wrdreg s19  }
0x17: {  	s5 =	sshrl.u32 s5, $0x3;
	[dreg:$0xa] =	wrdreg s7;
	s7 =	sadd.s32 s0, s23  }
0x18: {  	s1 =	sadd.s32 $0x10000, s1;
	s0 =	sadd.s32 s0, s5;
	[dreg:$0xb] =	wrdreg s7  }
0x19: {  	s28 =	sshll.u32 s26, $0x3;
	s25 =	sadd.s32 s24, s1;
	[dreg:$0xc] =	wrdreg s0  }
0x1a: {  	s16 =	sshll.u32 s29, $0x3;
	s15 =	sadd.s32 s28, s1;
	[dreg:$0xd] =	wrdreg s25  }
0x1b: {  	s17 =	sshll.u32 s10, $0x3;
	s18 =	sadd.s32 s16, s1;
	[dreg:$0xe] =	wrdreg s15  }
0x1c: {  	v0 =	vimm.s32 $0xECA86420;
	s1 =	sadd.s32 s17, s1;
	[dreg:$0xf] =	wrdreg s18  }
0x1d: {  	vm0 =	vcmask $0xB08;
	vm1 =	vcmask $0x1310;
	vm2 =	vcmask $0x1B18;
	s28 =	sadd.s32 $0x6000, s8;
	[dreg:$0x10] =	wrdreg s1  }
0x1e: {  	vm3 =	vcmask $0x300;
	vm4 =	vcmask $0x2320;
	vm5 =	vcmask $0x2B28;
	s23 =	sshll.u32 s29, $0x6;
	s29 =	sadd.s32 $0x8000, s8;
	[dreg:$0x1a] =	wrdreg s28  }
0x1f: {  	vm6 =	vcmask $0x3330;
	vm7 =	vcmask $0x3B38;
	v2 =	vlaneseq.u32;
	s30 =	simm.s32 $0x2;
	s24 =	sadd.s32 s23, s2;
	[dreg:$0x1b] =	wrdreg s29  }
0x20: {  	vm8 =	vmmov $0xff;
	vm9 =	vcmask $0x704;
	vm10 =	vcmask $0xF0C;
	s31 =	simm.s32 $0x12000;
	s15 =	sadd.s32 s9, s2;
	[dreg:$0x17] =	wrdreg s24  }
0x21: {  	vm11 =	vcmask $0x1714;
	vm12 =	vcmask $0x1F1C;
	vm13 =	vcmask $0x2724;
	s0 =	sshll.u32 s26, $0x6;
	s26 =	sadd.s32 $0x4000, s8;
	[dreg:$0x12] =	wrdreg s15  }
0x22: {  	vm14 =	vcmask $0x2F2C;
	vm15 =	vcmask $0x3734;
	v1 =	vunpack.c.l.s4.s8 v0;
	s25 =	sshll.u32 s10, $0x6;
	s0 =	sadd.s32 s0, s2;
	[dreg:$0x19] =	wrdreg s26  }
0x23: {  	v4 =	vimm.s32 $0x0;
	v5 =	vimm.s32 $0xFFFFFFFF;
	v6 =	vimm.f32 $0.0e+00;
	s3 =	simm.s32 $0x0;
	[dreg:$0x16] =	wrdreg s0;
	s0 =	sadd.s32 s25, s2  }
0x24: {  	v3 =	vmul.u32 $0x2, v2;
	v1 =	vunpack.c.0.s8.s32 v1;
	v0 =	vmov s6;
	s5 =	simm.s32 $0x1;
	[dreg:$0x18] =	wrdreg s0;
	s0 =	simm.s32 $0x80  }
.LBB2_1:
0x25: {  	[dreg:$0x1c] =	wrdreg s3  }
0x26: {  	s1 =	simm.s32 $0x0;
	s25 =	rddreg [dreg:$0x4]  }
0x27: {  	[tilespmem:s1], [sflag:$0x2] =	stream.linear.gather [hbm4b:s25+s1], $0x4000, $0x38;
	[tilespmem:$0x1E000] =	vst v63  }
0x28: {  	_ =	swait.ge [sflag:s30], $0x4000  }
0x29: {  	[sflag:s30] =	ssyncset.done $0x0  }
0x2a: {  	s6 =	simm.s32 $0x4000;
	s26 =	rddreg [dreg:$0x5];
	[sflag:s30] =	ssyncadd.s32 $0xFFFFC000  }
0x2b: {  	[tilespmem:s6], [sflag:$0x2] =	stream.linear.gather [hbm4b:s26+s1], $0x4000, $0x38;
	[tilespmem:$0x1E000] =	vst v63  }
0x2c: {  	_ =	swait.ge [sflag:s30], $0x4000  }
0x2d: {  	[sflag:s30] =	ssyncset.done $0x0  }
0x2e: {  	s29 =	simm.s32 $0xF800;
	s28 =	rddreg [dreg:$0x6];
	[sflag:s30] =	ssyncadd.s32 $0xFFFFC000  }
0x2f: {  	[tilespmem:s29], [sflag:$0x2] =	stream.linear.gather [hbm4b:s28+s1], $0x2800, $0x38;
	[tilespmem:$0x1E000] =	vst v63  }
0x30: {  	_ =	swait.ge [sflag:s30], $0x2800  }
0x31: {  	[sflag:s30] =	ssyncset.done $0x0  }
0x32: {  	s1 =	simm.s32 $0x0;
	[sflag:s30] =	ssyncadd.s32 $0xFFFFD800  }
.LBB2_2:
0x33: {  	s9 =	sand.u32 $0xFFC0, s1  }
0x34: {  	[dreg:$0x1d] =	wrdreg s1;
	s1 =	sshrl.u32 s9, $0x2  }
0x35: {  	v7 =	vld [tilespmem:s1+$0xF800];
	_ =	sdelay $0x4  }
0x36: {  	(v2sf) =	vpush v7, $0xD;
	_ =	sdelay $0x1  }
0x37: {  	(v2sf) =	vpush v7, $0xC;
	_ =	sdelay $0x1  }
0x38: {  	(v2sf) =	vpush v7, $0xE;
	_ =	sdelay $0x1  }
0x39: {  	(v2sf) =	vpush v7, $0xF;
	_ =	sdelay $0x1  }
0x3a: {  	(v2sf) =	vpush v7, $0x9;
	_ =	sdelay $0x1  }
0x3b: {  	(v2sf) =	vpush v7, $0x8;
	_ =	sdelay $0x1  }
0x3c: {  	(v2sf) =	vpush v7, $0xA;
	_ =	sdelay $0x1  }
0x3d: {  	(v2sf) =	vpush v7, $0xB  }
0x3e: {  	s10 =	spop (v2sf)  }
0x3f: {  	(v2sf) =	vpush v7, $0x0;
	s11 =	smulhi.u32 $0x68DB8BAD, s10;
	s10 =	sshra.s32 s10, $0x1F  }
0x40: {  	s12 =	spop (v2sf);
	s10 =	smul.u32 $0x68DB8BAD, s10  }
0x41: {  	(v2sf) =	vpush v7, $0x1;
	s13 =	smulhi.u32 $0x68DB8BAD, s12;
	s12 =	sshra.s32 s12, $0x1F  }
0x42: {  	s14 =	spop (v2sf);
	(v2sf) =	vpush v7, $0x2;
	s12 =	smul.u32 $0x68DB8BAD, s12  }
0x43: {  	s15 =	smulhi.u32 $0x68DB8BAD, s14;
	s14 =	sshra.s32 s14, $0x1F;
	(v2sf) =	vpush v7, $0x3  }
0x44: {  	s16 =	spop (v2sf);
	s14 =	smul.u32 $0x68DB8BAD, s14;
	(v2sf) =	vpush v7, $0x4  }
0x45: {  	s17 =	smulhi.u32 $0x68DB8BAD, s16;
	s16 =	sshra.s32 s16, $0x1F;
	(v2sf) =	vpush v7, $0x5  }
0x46: {  	s20 =	spop (v2sf);
	s16 =	smul.u32 $0x68DB8BAD, s16;
	(v2sf) =	vpush v7, $0x6  }
0x47: {  	[dreg:$0x1e] =	wrdreg s1;
	s22 =	smulhi.u32 $0x68DB8BAD, s20;
	s20 =	sshra.s32 s20, $0x1F;
	(v2sf) =	vpush v7, $0x7  }
0x48: {  	s29 =	spop (v2sf);
	s20 =	smul.u32 $0x68DB8BAD, s20  }
0x49: {  	s10 =	sadd.s32 s10, s11;
	s23 =	smulhi.u32 $0x68DB8BAD, s29;
	s11 =	sshra.s32 s29, $0x1F  }
0x4a: {  	s21 =	sshrl.u32 s10, $0x1F;
	s1 =	spop (v2sf);
	s24 =	smul.u32 $0x68DB8BAD, s11  }
0x4b: {  	s13 =	sadd.s32 s12, s13;
	s3 =	smulhi.u32 $0x68DB8BAD, s1;
	s6 =	sshra.s32 s1, $0x1F  }
0x4c: {  	s11 =	sadd.s32 s14, s15;
	s7 =	spop (v2sf);
	s15 =	smul.u32 $0x68DB8BAD, s6  }
0x4d: {  	s25 =	sshrl.u32 s13, $0x1F;
	s19 =	smulhi.u32 $0x68DB8BAD, s7;
	s8 =	sshra.s32 s7, $0x1F  }
0x4e: {  	s12 =	sadd.s32 s16, s17;
	s9 =	smul.u32 $0x68DB8BAD, s8;
	s1 =	spop (v2sf)  }
0x4f: {  	s18 =	sshrl.u32 s11, $0x1F;
	s17 =	smulhi.u32 $0x68DB8BAD, s1;
	s8 =	sshra.s32 s1, $0x1F  }
0x50: {  	s14 =	sadd.s32 s20, s22;
	s6 =	spop (v2sf);
	s8 =	smul.u32 $0x68DB8BAD, s8  }
0x51: {  	s22 =	smulhi.u32 $0x68DB8BAD, s6;
	s28 =	sshra.s32 s6, $0x1F;
	s29 =	spop (v2sf)  }
0x52: {  	s20 =	sadd.s32 s24, s23;
	s23 =	smul.u32 $0x68DB8BAD, s28;
	s7 =	spop (v2sf)  }
0x53: {  	s28 =	smulhi.u32 $0x68DB8BAD, s29;
	s29 =	sshra.s32 s29, $0x1F;
	s6 =	spop (v2sf)  }
0x54: {  	s15 =	sadd.s32 s15, s3;
	s3 =	smul.u32 $0x68DB8BAD, s29;
	s29 =	spop (v2sf)  }
0x55: {  	s1 =	smulhi.u32 $0x68DB8BAD, s7;
	s24 =	sshra.s32 s7, $0x1F;
	s7 =	spop (v2sf)  }
0x56: {  	s16 =	sadd.s32 s9, s19;
	s19 =	smul.u32 $0x68DB8BAD, s24;
	s9 =	spop (v2sf)  }
0x57: {  	s8 =	sadd.s32 s8, s17;
	s17 =	smulhi.u32 $0x68DB8BAD, s9;
	s24 =	sshra.s32 s9, $0x1F  }
0x58: {  	s26 =	sshrl.u32 s12, $0x1F;
	s22 =	sadd.s32 s23, s22;
	s23 =	smul.u32 $0x68DB8BAD, s24  }
0x59: {  	v9 =	vmov s25;
	s25 =	sshrl.u32 s8, $0x1F;
	s3 =	sadd.s32 s3, s28;
	s28 =	sshrl.u32 s20, $0x1F  }
0x5a: {  	v9 =	vsel vm0, s21, v9;
	v10 =	vmov s25;
	s21 =	smulhi.u32 $0x68DB8BAD, s29;
	s25 =	sshra.s32 s29, $0x1F;
	s17 =	sadd.s32 s23, s17  }
0x5b: {  	v9 =	vsel vm1, s18, v9;
	s1 =	sadd.s32 s19, s1;
	s18 =	smul.u32 $0x68DB8BAD, s25;
	s19 =	sshra.s32 s17, $0x1F  }
0x5c: {  	s25 =	smulhi.u32 $0x68DB8BAD, s7;
	s7 =	sshra.s32 s7, $0x1F;
	v8 =	vmov s19;
	s19 =	sshra.s32 s8, $0xC  }
0x5d: {  	s29 =	sshra.s32 s22, $0xC;
	s7 =	smul.u32 $0x68DB8BAD, s7;
	s8 =	sshra.s32 s8, $0x1F;
	v8 =	vsel vm3, s19, v8  }
0x5e: {  	v9 =	vsel vm2, s26, v9;
	s26 =	sshra.s32 s3, $0xC;
	v11 =	vmov s28;
	s28 =	sshra.s32 s13, $0xC;
	s24 =	smulhi.u32 $0x68DB8BAD, s6;
	v8 =	vsel vm9, s8, v8  }
0x5f: {  	s6 =	sshra.s32 s6, $0x1F;
	s19 =	sshrl.u32 s22, $0x1F;
	s22 =	sshra.s32 s22, $0x1F;
	v8 =	vsel vm0, s29, v8  }
0x60: {  	v10 =	vnsel vm3, $0x0, v10;
	s13 =	sshra.s32 s10, $0xC;
	s9 =	sshrl.u32 s14, $0x1F;
	s6 =	smul.u32 $0x68DB8BAD, s6;
	v8 =	vsel vm10, s22, v8  }
0x61: {  	v60 =	vmov s28;
	v11 =	vsel vm0, s9, v11;
	s23 =	sshrl.u32 s15, $0x1F;
	s29 =	sshrl.u32 s3, $0x1F;
	s3 =	sshra.s32 s3, $0x1F;
	v8 =	vsel vm1, s26, v8  }
0x62: {  	s6 =	sadd.s32 s6, s24;
	s24 =	sshrl.u32 s16, $0x1F;
	v11 =	vsel vm1, s23, v11;
	v10 =	vsel vm0, s19, v10;
	s22 =	sshra.s32 s1, $0xC;
	v8 =	vsel vm11, s3, v8  }
0x63: {  	s7 =	sadd.s32 s7, s25;
	v11 =	vsel vm2, s24, v11;
	v10 =	vsel vm1, s29, v10;
	s29 =	sshrl.u32 s1, $0x1F;
	s1 =	sshra.s32 s1, $0x1F;
	v8 =	vsel vm2, s22, v8  }
0x64: {  	v9 =	vcombine.low v11, v9;
	s8 =	sadd.s32 s18, s21;
	s21 =	sshrl.u32 s6, $0x1F;
	v10 =	vsel vm2, s29, v10;
	s26 =	sshra.s32 s6, $0xC;
	v8 =	vsel vm12, s1, v8  }
0x65: {  	v11 =	vsel vm0, s13, v60;
	s29 =	sshra.s32 s20, $0xC;
	s6 =	sshra.s32 s6, $0x1F;
	s20 =	sshra.s32 s11, $0xC;
	v10 =	vsel vm4, s21, v10;
	v8 =	vsel vm4, s26, v8  }
0x66: {  	s18 =	sshra.s32 s14, $0xC;
	s23 =	sshrl.u32 s8, $0x1F;
	s19 =	sshra.s32 s8, $0xC;
	v12 =	vmov s29;
	v11 =	vsel vm1, s20, v11;
	v8 =	vsel vm13, s6, v8  }
0x67: {  	s25 =	sshrl.u32 s7, $0x1F;
	s21 =	sshra.s32 s15, $0xC;
	v10 =	vsel vm5, s23, v10;
	v12 =	vsel vm0, s18, v12;
	s22 =	sshra.s32 s8, $0x1F;
	v8 =	vsel vm5, s19, v8  }
0x68: {  	s24 =	sshra.s32 s16, $0xC;
	s23 =	sshra.s32 s12, $0xC;
	v10 =	vsel vm6, s25, v10;
	v12 =	vsel vm1, s21, v12;
	s25 =	sshra.s32 s7, $0xC;
	v8 =	vsel vm14, s22, v8  }
0x69: {  	s28 =	sshra.s32 s7, $0x1F;
	v11 =	vsel vm2, s23, v11;
	s26 =	sshrl.u32 s17, $0x1F;
	v12 =	vsel vm2, s24, v12;
	v8 =	vsel vm6, s25, v8  }
0x6a: {  	s29 =	sshra.s32 s17, $0xC;
	v11 =	vcombine.low v12, v11;
	v10 =	vsel vm7, s26, v10;
	v8 =	vsel vm15, s28, v8  }
0x6b: {  	v9 =	vperm.xlane v9, v1;
	v10 =	vperm.xlane v10, v3;
	v8 =	vsel vm7, s29, v8  }
0x6c: {  	v11 =	vperm.xlane v11, v1;
	v8 =	vperm.xlane v8, v3;
	_ =	sdelay $0x1  }
0x6d: {  	v9 =	vsel vm8, v10, v9;
	v8 =	vsel vm8, v8, v11  }
0x6e: {  	v8 =	vadd.s32 v9, v8  }
0x6f: {  	v8 =	vmul.u32 $0x2710, v8;
	_ =	sdelay $0x1  }
0x70: {  	v7 =	vsub.s32 v7, v8  }
0x71: {  	v61 =	vshll.u32 v7, $0x10  }
0x72: {  	v9 =	vshra.s32 v61, $0x10  }
0x73: {  	(v2sf) =	vpush v9, $0x0  }
0x74: {  	(v2sf) =	vpush v9, $0xF  }
0x75: {  	(v2sf) =	vpush v9, $0x1  }
0x76: {  	(v2sf) =	vpush v9, $0x2;
	_ =	sdelay $0x1  }
0x77: {  	(v2sf) =	vpush v9, $0x3  }
0x78: {  	(v2sf) =	vpush v9, $0x4  }
0x79: {  	(v2sf) =	vpush v9, $0x5  }
0x7a: {  	(v2sf) =	vpush v9, $0x6  }
0x7b: {  	(v2sf) =	vpush v9, $0x7  }
0x7c: {  	(v2sf) =	vpush v9, $0x8  }
0x7d: {  	(v2sf) =	vpush v9, $0x9  }
0x7e: {  	(v2sf) =	vpush v9, $0xA;
	_ =	sdelay $0x2  }
0x7f: {  	s3 =	spop (v2sf);
	(v2sf) =	vpush v9, $0xB  }
0x80: {  	s6 =	spop (v2sf);
	s11 =	sshra.s32 s3, $0x1F  }
0x81: {  	(v2sf) =	vpush v9, $0xC;
	s7 =	spop (v2sf);
	s1 =	sxor.u32 s11, s3;
	s20 =	sshra.s32 s6, $0x1F  }
0x82: {  	s9 =	spop (v2sf);
	s1 =	ssub.s32 s1, s11;
	s21 =	sxor.u32 s20, s6  }
0x83: {  	(v2sf) =	vpush v9, $0xD;
	s3 =	sshra.s32 s7, $0x1F;
	(drf) =	sdiv.u32 s1, $0x64;
	s1 =	ssub.s32 s21, s20  }
0x84: {  	s8 =	spop (v2sf);
	s6 =	sxor.u32 s3, s7;
	(drf) =	sdiv.u32 s1, $0x64  }
0x85: {  	s13 =	sshra.s32 s9, $0x1F;
	s10 =	spop (v2sf);
	s22 =	ssub.s32 s6, s3  }
0x86: {  	s23 =	sxor.u32 s13, s9;
	s12 =	spop (v2sf);
	(drf) =	sdiv.u32 s22, $0x64  }
0x87: {  	s24 =	ssub.s32 s23, s13;
	s7 =	spop (v2sf)  }
0x88: {  	(drf) =	sdiv.u32 s24, $0x64;
	s6 =	spop (v2sf)  }
0x89: {  	s22 =	sshra.s32 s8, $0x1F;
	s1 =	spop (v2sf)  }
0x8a: {  	s8 =	sxor.u32 s22, s8;
	s14 =	spop (v2sf)  }
0x8b: {  	s8 =	ssub.s32 s8, s22;
	s15 =	spop (v2sf)  }
0x8c: {  	(drf) =	sdiv.u32 s8, $0x64;
	s25 =	spop (drf)  }
0x8d: {  	s26 =	spop (drf)  }
0x8e: {  	s16 =	spop (v2sf)  }
0x8f: {  	s18 =	sxor.u32 s11, s25;
	s19 =	sxor.u32 s20, s26;
	s28 =	spop (drf)  }
0x90: {  	s9 =	ssub.s32 s18, s11;
	(v2sf) =	vpush v9, $0xE;
	s17 =	spop (v2sf);
	s11 =	ssub.s32 s19, s20  }
0x91: {  	s29 =	spop (drf);
	s20 =	sxor.u32 s3, s28;
	s19 =	sshra.s32 s7, $0x1F  }
0x92: {  	s21 =	spop (v2sf);
	s3 =	ssub.s32 s20, s3;
	s18 =	sxor.u32 s13, s29  }
0x93: {  	s7 =	sxor.u32 s19, s7;
	s13 =	ssub.s32 s18, s13;
	s18 =	sshra.s32 s10, $0x1F  }
0x94: {  	s7 =	ssub.s32 s7, s19;
	s23 =	sxor.u32 s18, s10;
	s10 =	sshra.s32 s12, $0x1F  }
0x95: {  	s29 =	spop (drf);
	s8 =	ssub.s32 s23, s18;
	s12 =	sxor.u32 s10, s12  }
0x96: {  	(drf) =	sdiv.u32 s8, $0x64;
	s24 =	ssub.s32 s12, s10;
	s8 =	sshra.s32 s6, $0x1F  }
0x97: {  	s12 =	sshra.s32 s14, $0x1F;
	(drf) =	sdiv.u32 s24, $0x64;
	s6 =	sxor.u32 s8, s6  }
0x98: {  	s25 =	sxor.u32 s12, s14;
	(drf) =	sdiv.u32 s7, $0x64;
	s7 =	sshra.s32 s1, $0x1F  }
0x99: {  	s14 =	sshra.s32 s16, $0x1F;
	s6 =	ssub.s32 s6, s8;
	s1 =	sxor.u32 s7, s1  }
0x9a: {  	(drf) =	sdiv.u32 s6, $0x64;
	s6 =	sshra.s32 s15, $0x1F;
	s1 =	ssub.s32 s1, s7  }
0x9b: {  	s26 =	ssub.s32 s25, s12;
	s28 =	sxor.u32 s6, s15;
	(drf) =	sdiv.u32 s1, $0x64  }
0x9c: {  	s16 =	sxor.u32 s14, s16;
	s1 =	ssub.s32 s28, s6;
	(drf) =	sdiv.u32 s26, $0x64  }
0x9d: {  	s16 =	ssub.s32 s16, s14;
	s15 =	sxor.u32 s22, s29;
	(drf) =	sdiv.u32 s1, $0x64  }
0x9e: {  	s15 =	ssub.s32 s15, s22;
	s1 =	sshra.s32 s17, $0x1F;
	(drf) =	sdiv.u32 s16, $0x64  }
0x9f: {  	s22 =	sxor.u32 s1, s17;
	s17 =	sshra.s32 s21, $0x1F;
	s23 =	spop (v2sf)  }
0xa0: {  	v62 =	vmov s11;
	s24 =	ssub.s32 s22, s1;
	s25 =	sxor.u32 s17, s21;
	s21 =	sshra.s32 s23, $0x1F  }
0xa1: {  	v9 =	vsel vm3, s9, v62;
	(drf) =	sdiv.u32 s24, $0x64;
	s26 =	ssub.s32 s25, s17;
	s28 =	sxor.u32 s21, s23  }
0xa2: {  	v9 =	vsel vm9, s3, v9;
	s29 =	spop (drf);
	(drf) =	sdiv.u32 s26, $0x64;
	s11 =	ssub.s32 s28, s21  }
0xa3: {  	v9 =	vsel vm0, s13, v9;
	s3 =	sxor.u32 s18, s29;
	s13 =	spop (drf);
	(drf) =	sdiv.u32 s11, $0x64  }
0xa4: {  	v9 =	vsel vm10, s15, v9;
	s16 =	spop (drf);
	s3 =	ssub.s32 s3, s18;
	s11 =	sxor.u32 s10, s13  }
0xa5: {  	s18 =	spop (drf);
	v9 =	vsel vm1, s3, v9;
	s9 =	sxor.u32 s19, s16;
	s20 =	ssub.s32 s11, s10  }
0xa6: {  	s23 =	ssub.s32 s9, s19;
	s24 =	sxor.u32 s8, s18;
	s22 =	spop (drf);
	v9 =	vsel vm11, s20, v9  }
0xa7: {  	s26 =	ssub.s32 s24, s8;
	s25 =	spop (drf);
	s28 =	sxor.u32 s7, s22;
	v9 =	vsel vm2, s23, v9  }
0xa8: {  	s29 =	spop (drf);
	s7 =	ssub.s32 s28, s7;
	s8 =	sxor.u32 s12, s25;
	v9 =	vsel vm12, s26, v9  }
0xa9: {  	s10 =	spop (drf);
	s11 =	ssub.s32 s8, s12;
	s12 =	sxor.u32 s6, s29;
	v9 =	vsel vm4, s7, v9  }
0xaa: {  	s15 =	ssub.s32 s12, s6;
	s16 =	sxor.u32 s14, s10;
	s13 =	spop (drf);
	v9 =	vsel vm13, s11, v9  }
0xab: {  	s19 =	ssub.s32 s16, s14;
	s18 =	spop (drf);
	v9 =	vsel vm5, s15, v9;
	s20 =	sxor.u32 s1, s13  }
0xac: {  	v9 =	vsel vm14, s19, v9;
	s1 =	ssub.s32 s20, s1;
	s22 =	sxor.u32 s17, s18;
	s23 =	spop (drf)  }
0xad: {  	v9 =	vsel vm6, s1, v9;
	s24 =	ssub.s32 s22, s17;
	s25 =	sxor.u32 s21, s23  }
0xae: {  	v9 =	vsel vm15, s24, v9;
	s26 =	ssub.s32 s25, s21  }
0xaf: {  	v9 =	vsel vm7, s26, v9  }
0xb0: {  	v63 =	vmul.u32 $0xFF9C, v9;
	_ =	sdelay $0x1  }
0xb1: {  	s28 =	rddreg [dreg:$0x1d];
	v7 =	vadd.s32 v7, v63  }
0xb2: {  	p0 =	sne.s32 s28, $0x9FC0;
	v7 =	vmul.u32 $0x64, v7  }
.Ltmp0:
0xb3: {  	v9 =	vshll.u32 v9, $0x10;
	(pc) =	sbr.rel @p0 .LBB2_2-.Ltmp0, $4  }
0xb4: {  	v9 =	vshra.s32 v9, $0x10;
	v7 =	vshll.u32 v7, $0x10  }
0xb5: {  	v8 =	vadd.s32 v9, v8;
	v7 =	vshra.s32 v7, $0x10  }
0xb6: {  	s29 =	rddreg [dreg:$0x1e];
	v7 =	vadd.s32 v7, v8  }
0xb7: {  	s1 =	sadd.s32 $0x40, s28;
	[tilespmem:s29+$0xF800] =	vst v7  }
0xb8: {  	s1 =	simm.s32 $0x0  }
0xb9: {  	v8 =	vld [tilespmem:s1+$0x0]  }
0xba: {  	v7 =	vimm.s32 $0x0;
	s7 =	simm.s32 $0x0;
	s9 =	simm.s32 $0x40  }
.LBB2_4:
0xbb: {  	p0 =	sne.s32 s9, $0xFFC0  }
.Ltmp1:
0xbc: {  	_ = 	snop;
	(pc) =	sbr.rel @p0 .LBB2_4-.Ltmp1, $4  }
0xbd: {  	_ = 	snop  }
0xbe: {  	s1 =	sshra.s32 s9, $0x2;
	s9 =	sadd.s32 $0x40, s9;
	vm9 =	vlt.s32 v8, v0  }
0xbf: {  	v8 =	vld [tilespmem:s1+$0x0];
	v9 =	vsel vm9, $0x1, v4  }
0xc0: {  	v7 =	vadd.s32 v9, v7  }
0xc1: {  	_ =	sdelay $0x2  }
0xc2: {  	vm9 =	vlt.s32 v8, v0  }
0xc3: {  	v8 =	vsel vm9, $0x1, v4  }
0xc4: {  	s3 =	simm.s32 $0x8000;
	v7 =	vadd.s32 v8, v7  }
.LBB2_6:
0xc5: {  	p0 =	sne.s32 s7, $0x9FC0  }
.Ltmp2:
0xc6: {  	_ = 	snop;
	(pc) =	sbr.rel @p0 .LBB2_6-.Ltmp2, $3  }
0xc7: {  	_ =	sdelay $0x1  }
0xc8: {  	s1 =	sshra.s32 s7, $0x2  }
0xc9: {  	s7 =	sadd.s32 $0x40, s7;
	[tilespmem:s1+$0x8000] =	vst v5  }
0xca: {  	s8 =	rddreg [dreg:$0x7]  }
0xcb: {  	s7 =	simm.s32 $0x0;
	s9 =	simm.s32 $0x4000;
	s13 =	rddreg [dreg:$0x11]  }
0xcc: {  	s10 =	simm.s32 $0x10;
	s11 =	simm.s32 $0x0;
	s14 =	rddreg [dreg:$0x1b];
	v8 =	vld [tilespmem:s7+$0x0]  }
.LBB2_8:
0xcd: {  	p0 =	sne.s32 s10, $0x3FF0;
	v9 =	vld [tilespmem:s9+$0x0];
	_ =	sdelay $0x3  }
0xce: {  	v10 =	vsub.s32 v8, v0  }
0xcf: {  	vm9 =	vlt.u32 v10, $0x2800;
	vm10 =	vne.s32 v8, v9;
	vm11 =	vgt.s32 v10, $0x0  }
0xd0: {  	vm9 =	vmand vm9, vm10;
	v8 =	vnsel vm11, $0x0, v10  }
0xd1: {  	v8 =	vmin.u32 v8, $0x27FF;
	_ =	sdelay $0x1  }
.Ltmp3:
0xd2: {  	(pc) =	sbr.rel @p0 .LBB2_8-.Ltmp3, $4  }
0xd3: {  	_ = 	snop  }
0xd4: {  	v9 =	vor.u32 s7, v2;
	s7 =	smov.u32 s10  }
0xd5: {  	s11 =	sadd.s32 $0x10, s11;
	[tilespmem:v8+s3+$0x0] =	vst.idx.msk vm9, v9  }
0xd6: {  	s9 =	sadd.s32 $0x10, s9;
	s10 =	sadd.s32 $0x10, s10;
	v8 =	vld [tilespmem:s11+$0x0]  }
0xd7: {  	v9 =	vld [tilespmem:s9+$0x0];
	_ =	sdelay $0x1  }
0xd8: {  	(xrf0) =	vadd.scan.msk.s32 $0xffff, v7;
	_ =	sdelay $0x1  }
0xd9: {  	v7 =	vsub.s32 v8, v0  }
0xda: {  	vm9 =	vlt.u32 v7, $0x2800;
	vm10 =	vne.s32 v8, v9;
	vm11 =	vgt.s32 v7, $0x0  }
0xdb: {  	vm9 =	vmand vm9, vm10;
	v7 =	vnsel vm11, $0x0, v7  }
0xdc: {  	v7 =	vmin.u32 v7, $0x27FF  }
0xdd: {  	v8, _, _ =	vpop (xrf0)  }
0xde: {  	(v2sf) =	vpush v8, $0xF;
	_ =	sdelay $0x1  }
0xdf: {  	v8 =	vor.u32 s7, v2  }
0xe0: {  	s1 =	simm.s32 $0x0;
	[tilespmem:v7+s3+$0x0] =	vst.idx.msk vm9, v8  }
0xe1: {  	v7 =	vld [tilespmem:s1+$0x8000];
	_ =	sdelay $0x4  }
0xe2: {  	v7 =	vxor.u32 $0x80000000, v7  }
0xe3: {  	(xrf0) =	vmax.scan.msk.u32 $0xffff, v7;
	_ =	sdelay $0x4  }
0xe4: {  	s26 =	spop (v2sf)  }
0xe5: {  	s1 =	sadd.s32 $0xFFFFFFFF, s26;
	v7, _, _ =	vpop (xrf0)  }
0xe6: {  	v8 =	vmov s1;
	v7 =	vxor.u32 $0x80000000, v7  }
0xe7: {  	vm9 =	vgt.s32 v7, v8  }
0xe8: {  	v7 =	vsel vm9, v7, v8  }
0xe9: {  	v8 =	vxor.u32 $0x80000000, v7  }
0xea: {  	(xrf0) =	vmax.scan.msk.u32 $0xffff, v8;
	_ =	sdelay $0x2  }
0xeb: {  	s9 =	simm.s32 $0x0  }
0xec: {  	s28 =	sand.u32 $0xFFC0, s9  }
0xed: {  	s1 =	sshrl.u32 s28, $0x2  }
0xee: {  	[tilespmem:s1+$0xA800] =	vst v7;
	v7, _, _ =	vpop (xrf0)  }
0xef: {  	(v2sf) =	vpush v7, $0xF;
	_ =	sdelay $0x2  }
0xf0: {  	s29 =	simm.s32 $0x10  }
0xf1: {  	v7 =	vld [tilespmem:s29+$0x8000]  }
0xf2: {  	s10 =	simm.s32 $0x80;
	s12 =	simm.s32 $0xC0  }
0xf3: {  	s11 =	simm.s32 $0x40;
	s15 =	rddreg [dreg:$0x12];
	s7 =	simm.s32 $0x40  }
.LBB2_10:
0xf4: {  	p0 =	sne.s32 s12, $0x9FC0;
	_ =	sdelay $0x1  }
0xf5: {  	v7 =	vxor.u32 $0x80000000, v7  }
0xf6: {  	(xrf0) =	vmax.scan.msk.u32 $0xffff, v7;
	_ =	sdelay $0x4  }
0xf7: {  	s1 =	spop (v2sf)  }
0xf8: {  	v7, _, _ =	vpop (xrf0);
	s1 =	sxor.u32 $0x80000000, s1  }
0xf9: {  	v7 =	vxor.u32 $0x80000000, v7;
	v8 =	vmov s1  }
0xfa: {  	s1 =	sand.u32 $0xFFC0, s11;
	s11 =	smov.u32 s10;
	s10 =	smov.u32 s12;
	vm9 =	vgt.s32 v7, v8  }
0xfb: {  	s1 =	sshrl.u32 s1, $0x2;
	v7 =	vsel vm9, v7, v8  }
0xfc: {  	[tilespmem:s1+$0xA800] =	vst v7;
	v7 =	vxor.u32 $0x80000000, v7  }
0xfd: {  	(xrf0) =	vmax.scan.msk.u32 $0xffff, v7;
	_ =	sdelay $0x5  }
0xfe: {  	v7, _, _ =	vpop (xrf0)  }
0xff: {  	(v2sf) =	vpush v7, $0xF;
	_ =	sdelay $0x1  }
.Ltmp4:
0x100: {  	(pc) =	sbr.rel @p0 .LBB2_10-.Ltmp4, $3  }
0x101: {  	s1 =	sshra.s32 s11, $0x2  }
0x102: {  	v7 =	vld [tilespmem:s1+$0x8000];
	_ =	sdelay $0x1  }
0x103: {  	s12 =	sadd.s32 $0x40, s12  }
0x104: {  	_ =	sdelay $0x1  }
0x105: {  	v7 =	vxor.u32 $0x80000000, v7  }
0x106: {  	(xrf0) =	vmax.scan.msk.u32 $0xffff, v7;
	_ =	sdelay $0x4  }
0x107: {  	s1 =	spop (v2sf)  }
0x108: {  	v7, _, _ =	vpop (xrf0);
	s1 =	sxor.u32 $0x80000000, s1  }
0x109: {  	v7 =	vxor.u32 $0x80000000, v7;
	v8 =	vmov s1  }
0x10a: {  	vm9 =	vgt.s32 v7, v8  }
0x10b: {  	v7 =	vsel vm9, v7, v8  }
0x10c: {  	v8 =	vxor.u32 $0x80000000, v7  }
0x10d: {  	(xrf0) =	vmax.scan.msk.u32 $0xffff, v8;
	_ =	sdelay $0x5  }
0x10e: {  	v8, _, _ =	vpop (xrf0)  }
0x10f: {  	(v2sf) =	vpush v8, $0xF  }
0x110: {  	s24 =	sand.u32 $0xFFC0, s11  }
0x111: {  	s1 =	sshrl.u32 s24, $0x2  }
0x112: {  	s25 =	sshra.s32 s10, $0x2;
	[tilespmem:s1+$0xA800] =	vst v7  }
0x113: {  	v7 =	vld [tilespmem:s25+$0x8000];
	_ =	sdelay $0x4  }
0x114: {  	v7 =	vxor.u32 $0x80000000, v7  }
0x115: {  	(xrf0) =	vmax.scan.msk.u32 $0xffff, v7;
	_ =	sdelay $0x4  }
0x116: {  	s26 =	spop (v2sf)  }
0x117: {  	v7, _, _ =	vpop (xrf0);
	s1 =	sxor.u32 $0x80000000, s26  }
0x118: {  	v7 =	vxor.u32 $0x80000000, v7;
	v8 =	vmov s1  }
0x119: {  	vm9 =	vgt.s32 v7, v8  }
0x11a: {  	v7 =	vsel vm9, v7, v8  }
0x11b: {  	v8 =	vxor.u32 $0x80000000, v7  }
0x11c: {  	(xrf0) =	vmax.scan.msk.u32 $0xffff, v8;
	_ =	sdelay $0x5  }
0x11d: {  	v8, _, _ =	vpop (xrf0)  }
0x11e: {  	(v2sf) =	vpush v8, $0xF;
	_ =	sdelay $0xc  }
0x11f: {  	s28 =	sand.u32 $0xFFC0, s10  }
0x120: {  	s3 =	sand.u32 $0x7FC0, s9;
	s1 =	sshrl.u32 s28, $0x2  }
0x121: {  	s9 =	sshrl.u32 s3, $0x2;
	[tilespmem:s1+$0xA800] =	vst v7;
	s29 =	spop (v2sf)  }
.LBB2_12:
0x122: {  	p0 =	sne.s32 s7, $0x7FC0;
	[tilespmem:s9+$0x12000] =	vst v6;
	s1 =	smov.u32 s7;
	s7 =	sadd.s32 $0x40, s7  }
.Ltmp5:
0x123: {  	(pc) =	sbr.rel @p0 .LBB2_12-.Ltmp5, $3  }
0x124: {  	_ =	sdelay $0x1  }
0x125: {  	s1 =	sand.u32 $0x7FC0, s1  }
0x126: {  	s9 =	sshrl.u32 s1, $0x2  }
0x127: {  	[tilespmem:s9+$0x12000] =	vst v6  }
0x128: {  	[spmem:s8] =	stream.linear.scatter [tilespmem:s31], [sflag:$0x2], $0x2000, $0x38;
	[tilespmem:$0x1E000] =	vst v63  }
0x129: {  	_ =	swait.ge [sflag:s30], $0x2000  }
0x12a: {  	[sflag:s30] =	ssyncset.done $0x0  }
0x12b: {  	[sflag:s30] =	ssyncadd.s32 $0xFFFFE000  }
0x12c: {  	[spmem:s13] =	stream.linear.scatter [tilespmem:s31], [sflag:$0x2], $0x2000, $0x38;
	[tilespmem:$0x1E000] =	vst v63  }
0x12d: {  	_ =	swait.ge [sflag:s30], $0x2000  }
0x12e: {  	[sflag:s30] =	ssyncset.done $0x0  }
0x12f: {  	s11 =	rddreg [dreg:$0x19];
	[sflag:s30] =	ssyncadd.s32 $0xFFFFE000  }
0x130: {  	[spmem:s11] =	stream.linear.scatter [tilespmem:s31], [sflag:$0x2], $0x2000, $0x38;
	[tilespmem:$0x1E000] =	vst v63  }
0x131: {  	_ =	swait.ge [sflag:s30], $0x2000  }
0x132: {  	[sflag:s30] =	ssyncset.done $0x0  }
0x133: {  	s12 =	rddreg [dreg:$0x1a];
	[sflag:s30] =	ssyncadd.s32 $0xFFFFE000  }
0x134: {  	[spmem:s12] =	stream.linear.scatter [tilespmem:s31], [sflag:$0x2], $0x2000, $0x38;
	[tilespmem:$0x1E000] =	vst v63  }
0x135: {  	_ =	swait.ge [sflag:s30], $0x2000  }
0x136: {  	[sflag:s30] =	ssyncset.done $0x0  }
0x137: {  	[sflag:s30] =	ssyncadd.s32 $0xFFFFE000  }
0x138: {  	[spmem:s14] =	stream.linear.scatter [tilespmem:s31], [sflag:$0x2], $0x2000, $0x38;
	[tilespmem:$0x1E000] =	vst v63  }
0x139: {  	_ =	swait.ge [sflag:s30], $0x2000  }
0x13a: {  	[sflag:s30] =	ssyncset.done $0x0  }
0x13b: {  	s7 =	simm.s32 $0x0;
	[sflag:s30] =	ssyncadd.s32 $0xFFFFE000  }
0x13c: {  	v7 =	vld [tilespmem:s7+$0xA800];
	_ =	sdelay $0x4  }
0x13d: {  	v8 =	vshra.s32 v7, $0x1F  }
0x13e: {  	v8 =	vshrl.u32 v8, $0x15  }
0x13f: {  	v8 =	vadd.s32 v8, v7  }
0x140: {  	s9 =	simm.s32 $0x10;
	v8 =	vshrl.u32 v8, $0xB  }
0x141: {  	v9 =	vshll.u32 v8, $0xB;
	v8 =	vld [tilespmem:s9+$0xA800];
	_ =	sdelay $0x3  }
0x142: {  	s10 =	simm.s32 $0x80;
	vm10 =	vcmask $0xF0C;
	vm11 =	vcmask $0x1714;
	v9 =	vsub.s32 v7, v9  }
.LBB2_14:
0x143: {  	s1 =	sshra.s32 s10, $0x2;
	p0 =	sne.s32 s10, $0x9FC0;
	s10 =	sadd.s32 $0x40, s10;
	v10 =	vshra.s32 v8, $0x1F;
	vm9 =	vlt.u32 v7, $0x2000;
	v9 =	vadd.s32 $0x2000, v9  }
.Ltmp6:
0x144: {  	v10 =	vshrl.u32 v10, $0x15;
	v9 =	vsel vm9, v7, v9;
	v7 =	vmov v8;
	v8 =	vld [tilespmem:s1+$0xA800];
	(pc) =	sbr.rel @p0 .LBB2_14-.Ltmp6, $4  }
0x145: {  	v10 =	vadd.s32 v10, v7;
	[tilespmem:s7+$0xD000] =	vst v9;
	s7 =	smov.u32 s9;
	s9 =	smov.u32 s1  }
0x146: {  	v9 =	vshrl.u32 v10, $0xB  }
0x147: {  	v9 =	vshll.u32 v9, $0xB  }
0x148: {  	v9 =	vsub.s32 v7, v9  }
0x149: {  	v10 =	vshra.s32 v8, $0x1F  }
0x14a: {  	v10 =	vshrl.u32 v10, $0x15  }
0x14b: {  	v10 =	vadd.s32 v10, v8  }
0x14c: {  	v10 =	vshrl.u32 v10, $0xB  }
0x14d: {  	v10 =	vshll.u32 v10, $0xB  }
0x14e: {  	vm9 =	vlt.u32 v7, $0x2000;
	v9 =	vadd.s32 $0x2000, v9;
	v10 =	vsub.s32 v8, v10  }
0x14f: {  	v7 =	vsel vm9, v7, v9;
	vm9 =	vlt.u32 v8, $0x2000;
	v63 =	vadd.s32 $0x2000, v10  }
0x150: {  	[tilespmem:s7+$0xD000] =	vst v7;
	v7 =	vsel vm9, v8, v63  }
0x151: {  	[tilespmem:s9+$0xD000] =	vst v7  }
0x152: {  	s1 =	simm.s32 $0xF800;
	[bflag:$0x0] =	sbarrier.arrive $0xFFFF  }
0x153: {  	[tilespmem:s31], [sflag:$0x1] =	stream.indirect.gather [hbm4b:s4+s0], $0x40, s1, s0, $0xb8;
	[tilespmem:$0x1E000] =	vst v63  }
0x154: {  	_ =	swait.ge [sflag:s5], $0x2000  }
0x155: {  	[sflag:s5] =	ssyncset.done $0x0  }
0x156: {  	s29 =	simm.s32 $0xD000;
	[sflag:s5] =	ssyncadd.s32 $0xFFFFE000  }
0x157: {  	[spmem:s2] =	stream.indirect.scatter.add.f32 [tilespmem:s31], [sflag:$0x2], $0x40, s29, s0, $0xb8;
	[tilespmem:$0x1E000] =	vst v63  }
0x158: {  	_ =	swait.ge [sflag:s30], $0x2000  }
0x159: {  	s7 =	simm.s32 $0x80;
	s9 =	simm.s32 $0x400;
	[sflag:s30] =	ssyncset.done $0x0  }
.LBB2_16:
0x15a: {  	s1 =	sadd.s32 $0xF800, s7  }
0x15b: {  	[sflag:s30] =	ssyncadd.s32 $0xFFFFE000;
	s3 =	smov.u32 s9;
	s6 =	sadd.s32 $0x200, s9  }
0x15c: {  	[tilespmem:s31], [sflag:$0x1] =	stream.indirect.gather [hbm4b:s4+s0], $0x40, s1, s0, $0xb8;
	[tilespmem:$0x1E000] =	vst v63  }
0x15d: {  	p0 =	sne.s32 s9, $0x9E00;
	_ =	swait.ge [sflag:s5], $0x2000  }
.Ltmp7:
0x15e: {  	[sflag:s5] =	ssyncset.done $0x0;
	(pc) =	sbr.rel @p0 .LBB2_16-.Ltmp7, $4  }
0x15f: {  	s1 =	sadd.s32 $0xD000, s7;
	[sflag:s5] =	ssyncadd.s32 $0xFFFFE000  }
0x160: {  	[spmem:s2] =	stream.indirect.scatter.add.f32 [tilespmem:s31], [sflag:$0x2], $0x40, s1, s0, $0xb8;
	[tilespmem:$0x1E000] =	vst v63  }
0x161: {  	_ =	swait.ge [sflag:s30], $0x2000  }
0x162: {  	s7 =	sshra.s32 s3, $0x2;
	s9 =	smov.u32 s6;
	[sflag:s30] =	ssyncset.done $0x0  }
0x163: {  	s1 =	sadd.s32 $0xF800, s7;
	[sflag:s30] =	ssyncadd.s32 $0xFFFFE000  }
0x164: {  	[tilespmem:s31], [sflag:$0x1] =	stream.indirect.gather [hbm4b:s4+s0], $0x40, s1, s0, $0xb8;
	[tilespmem:$0x1E000] =	vst v63  }
0x165: {  	_ =	swait.ge [sflag:s5], $0x2000  }
0x166: {  	[sflag:s5] =	ssyncset.done $0x0  }
0x167: {  	s21 =	sadd.s32 $0xD000, s7;
	[sflag:s5] =	ssyncadd.s32 $0xFFFFE000  }
0x168: {  	[spmem:s2] =	stream.indirect.scatter.add.f32 [tilespmem:s31], [sflag:$0x2], $0x40, s21, s0, $0xb8;
	[tilespmem:$0x1E000] =	vst v63  }
0x169: {  	_ =	swait.ge [sflag:s30], $0x2000  }
0x16a: {  	[sflag:s30] =	ssyncset.done $0x0  }
0x16b: {  	[sflag:s30] =	ssyncadd.s32 $0xFFFFE000  }
0x16c: {  	[bflag:$0x0] =	sbarrier.arrive $0xFFFF  }
0x16d: {  	[tilespmem:s31], [sflag:$0x2] =	stream.linear.gather [spmem:s15], $0x2000, $0x38;
	[tilespmem:$0x1E000] =	vst v63  }
0x16e: {  	_ =	swait.ge [sflag:s30], $0x2000  }
0x16f: {  	[sflag:s30] =	ssyncset.done $0x0  }
0x170: {  	s22 =	simm.s32 $0x0;
	s3 =	rddreg [dreg:$0x9];
	[sflag:s30] =	ssyncadd.s32 $0xFFFFE000  }
0x171: {  	[hbm4b:s3+s22] =	stream.linear.scatter [tilespmem:s31], [sflag:$0x2], $0x2000, $0x38;
	[tilespmem:$0x1E000] =	vst v63  }
0x172: {  	_ =	swait.ge [sflag:s30], $0x2000  }
0x173: {  	[sflag:s30] =	ssyncset.done $0x0  }
0x174: {  	s23 =	rddreg [dreg:$0x13];
	[sflag:s30] =	ssyncadd.s32 $0xFFFFE000  }
0x175: {  	[tilespmem:s31], [sflag:$0x2] =	stream.linear.gather [spmem:s23], $0x2000, $0x38;
	[tilespmem:$0x1E000] =	vst v63  }
0x176: {  	_ =	swait.ge [sflag:s30], $0x2000  }
0x177: {  	[sflag:s30] =	ssyncset.done $0x0  }
0x178: {  	s24 =	rddreg [dreg:$0xa];
	[sflag:s30] =	ssyncadd.s32 $0xFFFFE000  }
0x179: {  	[hbm4b:s24+s22] =	stream.linear.scatter [tilespmem:s31], [sflag:$0x2], $0x2000, $0x38;
	[tilespmem:$0x1E000] =	vst v63  }
0x17a: {  	_ =	swait.ge [sflag:s30], $0x2000  }
0x17b: {  	[sflag:s30] =	ssyncset.done $0x0  }
0x17c: {  	s25 =	rddreg [dreg:$0x14];
	[sflag:s30] =	ssyncadd.s32 $0xFFFFE000  }
0x17d: {  	[tilespmem:s31], [sflag:$0x2] =	stream.linear.gather [spmem:s25], $0x2000, $0x38;
	[tilespmem:$0x1E000] =	vst v63  }
0x17e: {  	_ =	swait.ge [sflag:s30], $0x2000  }
0x17f: {  	[sflag:s30] =	ssyncset.done $0x0  }
0x180: {  	s26 =	rddreg [dreg:$0xb];
	[sflag:s30] =	ssyncadd.s32 $0xFFFFE000  }
0x181: {  	[hbm4b:s26+s22] =	stream.linear.scatter [tilespmem:s31], [sflag:$0x2], $0x2000, $0x38;
	[tilespmem:$0x1E000] =	vst v63  }
0x182: {  	_ =	swait.ge [sflag:s30], $0x2000  }
0x183: {  	[sflag:s30] =	ssyncset.done $0x0  }
0x184: {  	s28 =	rddreg [dreg:$0x15];
	[sflag:s30] =	ssyncadd.s32 $0xFFFFE000  }
0x185: {  	[tilespmem:s31], [sflag:$0x2] =	stream.linear.gather [spmem:s28], $0x2000, $0x38;
	[tilespmem:$0x1E000] =	vst v63  }
0x186: {  	_ =	swait.ge [sflag:s30], $0x2000  }
0x187: {  	[sflag:s30] =	ssyncset.done $0x0  }
0x188: {  	s29 =	rddreg [dreg:$0xc];
	[sflag:s30] =	ssyncadd.s32 $0xFFFFE000  }
0x189: {  	[hbm4b:s29+s22] =	stream.linear.scatter [tilespmem:s31], [sflag:$0x2], $0x2000, $0x38;
	[tilespmem:$0x1E000] =	vst v63  }
0x18a: {  	_ =	swait.ge [sflag:s30], $0x2000  }
0x18b: {  	[sflag:s30] =	ssyncset.done $0x0  }
0x18c: {  	s1 =	sand.u32 $0x7FC0, s22;
	[sflag:s30] =	ssyncadd.s32 $0xFFFFE000  }
0x18d: {  	s7 =	simm.s32 $0x40;
	s9 =	sshrl.u32 s1, $0x2;
	[bflag:$0x0] =	sbarrier.arrive $0xFFFF  }
.LBB2_18:
0x18e: {  	p0 =	sne.s32 s7, $0x7FC0;
	[tilespmem:s9+$0x12000] =	vst v6;
	s1 =	smov.u32 s7;
	s7 =	sadd.s32 $0x40, s7  }
.Ltmp8:
0x18f: {  	(pc) =	sbr.rel @p0 .LBB2_18-.Ltmp8, $3  }
0x190: {  	_ =	sdelay $0x1  }
0x191: {  	s1 =	sand.u32 $0x7FC0, s1  }
0x192: {  	s9 =	sshrl.u32 s1, $0x2  }
0x193: {  	[tilespmem:s9+$0x12000] =	vst v6  }
0x194: {  	[spmem:s8] =	stream.linear.scatter [tilespmem:s31], [sflag:$0x2], $0x2000, $0x38;
	[tilespmem:$0x1E000] =	vst v63  }
0x195: {  	_ =	swait.ge [sflag:s30], $0x2000  }
0x196: {  	[sflag:s30] =	ssyncset.done $0x0  }
0x197: {  	[sflag:s30] =	ssyncadd.s32 $0xFFFFE000  }
0x198: {  	[spmem:s13] =	stream.linear.scatter [tilespmem:s31], [sflag:$0x2], $0x2000, $0x38;
	[tilespmem:$0x1E000] =	vst v63  }
0x199: {  	_ =	swait.ge [sflag:s30], $0x2000  }
0x19a: {  	[sflag:s30] =	ssyncset.done $0x0  }
0x19b: {  	[sflag:s30] =	ssyncadd.s32 $0xFFFFE000  }
0x19c: {  	[spmem:s11] =	stream.linear.scatter [tilespmem:s31], [sflag:$0x2], $0x2000, $0x38;
	[tilespmem:$0x1E000] =	vst v63  }
0x19d: {  	_ =	swait.ge [sflag:s30], $0x2000  }
0x19e: {  	[sflag:s30] =	ssyncset.done $0x0  }
0x19f: {  	[sflag:s30] =	ssyncadd.s32 $0xFFFFE000  }
0x1a0: {  	[spmem:s12] =	stream.linear.scatter [tilespmem:s31], [sflag:$0x2], $0x2000, $0x38;
	[tilespmem:$0x1E000] =	vst v63  }
0x1a1: {  	_ =	swait.ge [sflag:s30], $0x2000  }
0x1a2: {  	[sflag:s30] =	ssyncset.done $0x0  }
0x1a3: {  	[sflag:s30] =	ssyncadd.s32 $0xFFFFE000  }
0x1a4: {  	[spmem:s14] =	stream.linear.scatter [tilespmem:s31], [sflag:$0x2], $0x2000, $0x38;
	[tilespmem:$0x1E000] =	vst v63  }
0x1a5: {  	_ =	swait.ge [sflag:s30], $0x2000  }
0x1a6: {  	[sflag:s30] =	ssyncset.done $0x0  }
0x1a7: {  	s7 =	simm.s32 $0x0;
	[sflag:s30] =	ssyncadd.s32 $0xFFFFE000  }
0x1a8: {  	v10 =	vld [tilespmem:s7+$0xA800];
	_ =	sdelay $0x4  }
0x1a9: {  	v7 =	vshra.s32 v10, $0x1F  }
0x1aa: {  	v7 =	vshrl.u32 v7, $0x15  }
0x1ab: {  	v7 =	vadd.s32 v7, v10  }
0x1ac: {  	s9 =	simm.s32 $0x10;
	v7 =	vshrl.u32 v7, $0xB  }
0x1ad: {  	v11 =	vshll.u32 v7, $0xB;
	v7 =	vld [tilespmem:s9+$0xA800];
	_ =	sdelay $0x3  }
0x1ae: {  	s10 =	simm.s32 $0x80;
	v8 =	vadd.s32 $0xFFFFE000, v10;
	v9 =	vand.u32 $0xFFFFE000, v10;
	v10 =	vsub.s32 v10, v11  }
.LBB2_20:
0x1af: {  	s1 =	sshra.s32 s10, $0x2;
	p0 =	sne.s32 s10, $0x9FC0;
	s10 =	sadd.s32 $0x40, s10;
	v11 =	vshra.s32 v7, $0x1F;
	vm9 =	veq.s32 v9, $0x2000;
	v9 =	vadd.s32 $0x2000, v10;
	v10 =	vmovc v7  }
.Ltmp9:
0x1b0: {  	v7 =	vld [tilespmem:s1+$0xA800];
	v11 =	vshrl.u32 v11, $0x15;
	v8 =	vsel vm9, v8, v9;
	(pc) =	sbr.rel @p0 .LBB2_20-.Ltmp9, $4  }
0x1b1: {  	v9 =	vadd.s32 v11, v10;
	[tilespmem:s7+$0xD000] =	vst v8;
	s7 =	smov.u32 s9;
	s9 =	smov.u32 s1  }
0x1b2: {  	v8 =	vshrl.u32 v9, $0xB  }
0x1b3: {  	v11 =	vshll.u32 v8, $0xB  }
0x1b4: {  	v9 =	vand.u32 $0xFFFFE000, v10;
	v8 =	vadd.s32 $0xFFFFE000, v10;
	v10 =	vsub.s32 v10, v11  }
0x1b5: {  	v11 =	vshra.s32 v7, $0x1F  }
0x1b6: {  	v11 =	vshrl.u32 v11, $0x15  }
0x1b7: {  	v11 =	vadd.s32 v11, v7  }
0x1b8: {  	v11 =	vshrl.u32 v11, $0xB  }
0x1b9: {  	vm9 =	veq.s32 v9, $0x2000;
	v60 =	vadd.s32 $0x2000, v10;
	v61 =	vshll.u32 v11, $0xB  }
0x1ba: {  	v62 =	vand.u32 $0xFFFFE000, v7;
	v8 =	vsel vm9, v8, v60;
	v10 =	vsub.s32 v7, v61  }
0x1bb: {  	vm9 =	veq.s32 v62, $0x2000;
	v7 =	vadd.s32 $0xFFFFE000, v7;
	v63 =	vadd.s32 $0x2000, v10  }
0x1bc: {  	[tilespmem:s7+$0xD000] =	vst v8;
	v7 =	vsel vm9, v7, v63  }
0x1bd: {  	[tilespmem:s9+$0xD000] =	vst v7  }
0x1be: {  	s1 =	simm.s32 $0xF800;
	[bflag:$0x0] =	sbarrier.arrive $0xFFFF  }
0x1bf: {  	[tilespmem:s31], [sflag:$0x1] =	stream.indirect.gather [hbm4b:s4+s0], $0x40, s1, s0, $0xb8;
	[tilespmem:$0x1E000] =	vst v63  }
0x1c0: {  	_ =	swait.ge [sflag:s5], $0x2000  }
0x1c1: {  	[sflag:s5] =	ssyncset.done $0x0  }
0x1c2: {  	s29 =	simm.s32 $0xD000;
	[sflag:s5] =	ssyncadd.s32 $0xFFFFE000  }
0x1c3: {  	[spmem:s2] =	stream.indirect.scatter.add.f32 [tilespmem:s31], [sflag:$0x2], $0x40, s29, s0, $0xb8;
	[tilespmem:$0x1E000] =	vst v63  }
0x1c4: {  	_ =	swait.ge [sflag:s30], $0x2000  }
0x1c5: {  	s7 =	simm.s32 $0x80;
	s9 =	simm.s32 $0x400;
	[sflag:s30] =	ssyncset.done $0x0  }
.LBB2_22:
0x1c6: {  	s1 =	sadd.s32 $0xF800, s7  }
0x1c7: {  	[sflag:s30] =	ssyncadd.s32 $0xFFFFE000;
	s3 =	smov.u32 s9;
	s6 =	sadd.s32 $0x200, s9  }
0x1c8: {  	[tilespmem:s31], [sflag:$0x1] =	stream.indirect.gather [hbm4b:s4+s0], $0x40, s1, s0, $0xb8;
	[tilespmem:$0x1E000] =	vst v63  }
0x1c9: {  	p0 =	sne.s32 s9, $0x9E00;
	_ =	swait.ge [sflag:s5], $0x2000  }
.Ltmp10:
0x1ca: {  	[sflag:s5] =	ssyncset.done $0x0;
	(pc) =	sbr.rel @p0 .LBB2_22-.Ltmp10, $4  }
0x1cb: {  	s1 =	sadd.s32 $0xD000, s7;
	[sflag:s5] =	ssyncadd.s32 $0xFFFFE000  }
0x1cc: {  	[spmem:s2] =	stream.indirect.scatter.add.f32 [tilespmem:s31], [sflag:$0x2], $0x40, s1, s0, $0xb8;
	[tilespmem:$0x1E000] =	vst v63  }
0x1cd: {  	_ =	swait.ge [sflag:s30], $0x2000  }
0x1ce: {  	s7 =	sshra.s32 s3, $0x2;
	s9 =	smov.u32 s6;
	[sflag:s30] =	ssyncset.done $0x0  }
0x1cf: {  	s1 =	sadd.s32 $0xF800, s7;
	[sflag:s30] =	ssyncadd.s32 $0xFFFFE000  }
0x1d0: {  	[tilespmem:s31], [sflag:$0x1] =	stream.indirect.gather [hbm4b:s4+s0], $0x40, s1, s0, $0xb8;
	[tilespmem:$0x1E000] =	vst v63  }
0x1d1: {  	_ =	swait.ge [sflag:s5], $0x2000  }
0x1d2: {  	[sflag:s5] =	ssyncset.done $0x0  }
0x1d3: {  	s21 =	sadd.s32 $0xD000, s7;
	[sflag:s5] =	ssyncadd.s32 $0xFFFFE000  }
0x1d4: {  	[spmem:s2] =	stream.indirect.scatter.add.f32 [tilespmem:s31], [sflag:$0x2], $0x40, s21, s0, $0xb8;
	[tilespmem:$0x1E000] =	vst v63  }
0x1d5: {  	_ =	swait.ge [sflag:s30], $0x2000  }
0x1d6: {  	[sflag:s30] =	ssyncset.done $0x0  }
0x1d7: {  	[sflag:s30] =	ssyncadd.s32 $0xFFFFE000  }
0x1d8: {  	[bflag:$0x0] =	sbarrier.arrive $0xFFFF  }
0x1d9: {  	[tilespmem:s31], [sflag:$0x2] =	stream.linear.gather [spmem:s15], $0x2000, $0x38;
	[tilespmem:$0x1E000] =	vst v63  }
0x1da: {  	_ =	swait.ge [sflag:s30], $0x2000  }
0x1db: {  	[sflag:s30] =	ssyncset.done $0x0  }
0x1dc: {  	s22 =	simm.s32 $0x0;
	s3 =	rddreg [dreg:$0xd];
	[sflag:s30] =	ssyncadd.s32 $0xFFFFE000  }
0x1dd: {  	[hbm4b:s3+s22] =	stream.linear.scatter [tilespmem:s31], [sflag:$0x2], $0x2000, $0x38;
	[tilespmem:$0x1E000] =	vst v63  }
0x1de: {  	_ =	swait.ge [sflag:s30], $0x2000  }
0x1df: {  	[sflag:s30] =	ssyncset.done $0x0  }
0x1e0: {  	s23 =	rddreg [dreg:$0x16];
	[sflag:s30] =	ssyncadd.s32 $0xFFFFE000  }
0x1e1: {  	[tilespmem:s31], [sflag:$0x2] =	stream.linear.gather [spmem:s23], $0x2000, $0x38;
	[tilespmem:$0x1E000] =	vst v63  }
0x1e2: {  	_ =	swait.ge [sflag:s30], $0x2000  }
0x1e3: {  	[sflag:s30] =	ssyncset.done $0x0  }
0x1e4: {  	s24 =	rddreg [dreg:$0xe];
	[sflag:s30] =	ssyncadd.s32 $0xFFFFE000  }
0x1e5: {  	[hbm4b:s24+s22] =	stream.linear.scatter [tilespmem:s31], [sflag:$0x2], $0x2000, $0x38;
	[tilespmem:$0x1E000] =	vst v63  }
0x1e6: {  	_ =	swait.ge [sflag:s30], $0x2000  }
0x1e7: {  	[sflag:s30] =	ssyncset.done $0x0  }
0x1e8: {  	s25 =	rddreg [dreg:$0x17];
	[sflag:s30] =	ssyncadd.s32 $0xFFFFE000  }
0x1e9: {  	[tilespmem:s31], [sflag:$0x2] =	stream.linear.gather [spmem:s25], $0x2000, $0x38;
	[tilespmem:$0x1E000] =	vst v63  }
0x1ea: {  	_ =	swait.ge [sflag:s30], $0x2000  }
0x1eb: {  	[sflag:s30] =	ssyncset.done $0x0  }
0x1ec: {  	s26 =	rddreg [dreg:$0xf];
	[sflag:s30] =	ssyncadd.s32 $0xFFFFE000  }
0x1ed: {  	[hbm4b:s26+s22] =	stream.linear.scatter [tilespmem:s31], [sflag:$0x2], $0x2000, $0x38;
	[tilespmem:$0x1E000] =	vst v63  }
0x1ee: {  	_ =	swait.ge [sflag:s30], $0x2000  }
0x1ef: {  	[sflag:s30] =	ssyncset.done $0x0  }
0x1f0: {  	s28 =	rddreg [dreg:$0x18];
	[sflag:s30] =	ssyncadd.s32 $0xFFFFE000  }
0x1f1: {  	[tilespmem:s31], [sflag:$0x2] =	stream.linear.gather [spmem:s28], $0x2000, $0x38;
	[tilespmem:$0x1E000] =	vst v63  }
0x1f2: {  	_ =	swait.ge [sflag:s30], $0x2000  }
0x1f3: {  	[sflag:s30] =	ssyncset.done $0x0  }
0x1f4: {  	s29 =	rddreg [dreg:$0x10];
	[sflag:s30] =	ssyncadd.s32 $0xFFFFE000  }
0x1f5: {  	[hbm4b:s29+s22] =	stream.linear.scatter [tilespmem:s31], [sflag:$0x2], $0x2000, $0x38;
	[tilespmem:$0x1E000] =	vst v63  }
0x1f6: {  	_ =	swait.ge [sflag:s30], $0x2000  }
0x1f7: {  	[sflag:s30] =	ssyncset.done $0x0  }
0x1f8: {  	s1 =	sand.u32 $0x7FC0, s22;
	[sflag:s30] =	ssyncadd.s32 $0xFFFFE000  }
0x1f9: {  	s7 =	simm.s32 $0x40;
	vm9 =	vcmask $0x704;
	s9 =	sshrl.u32 s1, $0x2;
	[bflag:$0x0] =	sbarrier.arrive $0xFFFF  }
.LBB2_24:
0x1fa: {  	p0 =	sne.s32 s7, $0x7FC0;
	[tilespmem:s9+$0x12000] =	vst v6;
	s1 =	smov.u32 s7;
	s7 =	sadd.s32 $0x40, s7  }
.Ltmp11:
0x1fb: {  	(pc) =	sbr.rel @p0 .LBB2_24-.Ltmp11, $3  }
0x1fc: {  	_ =	sdelay $0x1  }
0x1fd: {  	s1 =	sand.u32 $0x7FC0, s1  }
0x1fe: {  	s9 =	sshrl.u32 s1, $0x2  }
0x1ff: {  	s3 =	rddreg [dreg:$0x1c]  }
0x200: {  	s1 =	rddreg [dreg:$0x8];
	s3 =	sadd.s32 $0x1, s3  }
0x201: {  	p0 =	sne.s32 s3, s1  }
.Ltmp12:
0x202: {  	_ = 	snop;
	(pc) =	sbr.rel @p0 .LBB2_1-.Ltmp12, $2  }
0x203: {  	_ =	sdelay $0x2  }
0x204: {  	[tilespmem:s9+$0x12000] =	vst v6  }
0x205: {  	_ =	sfence.sel $0x180000  }
0x206: {  	[bflag:$0x0] =	sbarrier.arrive $0xFFFF  }
0x207: {  	_ =	strace $0x90000047  }
0x208: {  	s0 =	stileid.u32;
	[bflag:$0x2] =	sbarrier.arrive $0xFFFF  }
0x209: {  	p0 =	sne.s32 s0, $0x0;
	s0 =	rddreg [dreg:$0x3]  }
0x20a: {  	s0 =	sadd.s32 @!p0 $0x100000, s0  }
0x20b: {  	[sflag:s0] =	ssyncadd.tile.s32 @!p0 $0x1;
	_ =	shalt  }
.Lfunc_end2:
_tile_overlayer_lowered:
.L_overlay_start_2:
0x20c: {  	(tag) =	ssettag $0x2  }
0x20d: {  	s0 =	rddreg [dreg:$0x0];
	s2 =	stileid.u32  }
0x20e: {  	s1 =	rddreg [dreg:$0x1];
	p0 =	sne.s32 s2, $0x0  }
0x20f: {  	s3 =	rddreg [dreg:$0x2];
	[bflag:$0x3] =	sbarrier.arrive $0xFFFF;
	s2 =	simm.s32 @!p0 $0x1C02  }
0x210: {  	[timem:s3], [sflag:s2] =	dma.local @!p0 [hbm:s0], s1  }
0x211: {  	s0 =	simm.s32 @!p0 $0x2  }
0x212: {  	_ =	swait.ge @!p0 [sflag:s0], s1  }
0x213: {  	s1 =	ssub.s32 @!p0 $0x0, s1;
	[sflag:s0] =	ssyncset.done @!p0 $0x0  }
0x214: {  	[sflag:s0] =	ssyncadd.s32 @!p0 s1  }
0x215: {  	[bflag:$0x3] =	sbarrier.arrive $0xFFFF  }
0x216: {  	_ =	shalt  }

</sc_bundles>
